<compile_context>
chip_gen: v7x
topology: tpu7x:2x2x1
jax: 0.10.2.dev20260603
libtpu: 0.0.44.dev20260713+nightly
codegen_flags: <defaults>
</compile_context>

<pallas_src>
import functools

import jax
import jax.numpy as jnp
from jax import lax
from jax.experimental import pallas as pl
from jax.experimental.pallas import tpu as pltpu, tpu_sc as plsc

_N_NODES = 1_000_000
_MEM_DIM = 128
_BATCH = 16384

_NC = 2
_NS = 16
_L = 16
_SLICE = 62504
_TBL = _NS * _SLICE
_ROWS_PER_TILE = _BATCH // (_NC * _NS)
_CHUNK = 128
_VREGS = _BATCH // _L


_mesh = plsc.VectorSubcoreMesh(core_axis_name="c", subcore_axis_name="s")


@functools.partial(
    pl.kernel,
    mesh=_mesh,
    out_type=[
        jax.ShapeDtypeStruct((_BATCH, _MEM_DIM), jnp.float32),
        jax.ShapeDtypeStruct((_NC * _TBL,), jnp.int32),
    ],
    scratch_types=[
        pltpu.VMEM((_BATCH,), jnp.int32),
        pltpu.VMEM((_SLICE + 8,), jnp.int32),
        pltpu.VMEM((_ROWS_PER_TILE,), jnp.int32),
        pltpu.VMEM((_ROWS_PER_TILE,), jnp.int32),
        pltpu.VMEM((3, _CHUNK, _MEM_DIM), jnp.float32),
        pltpu.SemaphoreType.DMA,
        pltpu.SemaphoreType.DMA,
        pltpu.SemaphoreType.DMA,
    ],
    compiler_params=pltpu.CompilerParams(needs_layout_passes=False),
)
def _sc_scatter_gather(ids_hbm, values_hbm, out_hbm, table_hbm,
                       ids_v, tbl_v, tidx_v, widx_v, rows_v,
                       sem_t, sem_r, sem_o):
    c = lax.axis_index("c")
    s = lax.axis_index("s")
    w = c * _NS + s

    half = _BATCH // 2
    hdesc = [pltpu.async_copy(ids_hbm.at[pl.ds(h * half, half)],
                              ids_v.at[pl.ds(h * half, half)], sem_t)
             for h in range(2)]

    lane = lax.iota(jnp.int32, _L)
    lo = s * _SLICE

    _UNROLL = 8

    def build(k, carry):
        for u in range(_UNROLL):
            v = k * _UNROLL + u
            loc = ids_v[pl.ds(v * _L, _L)] - lo
            locu = plsc.bitcast(loc, jnp.uint32)
            idx = plsc.bitcast(jnp.minimum(locu, jnp.uint32(_SLICE)),
                               jnp.int32)
            plsc.store_scatter(tbl_v, [idx], v * _L + lane)
        return carry

    n_half = _VREGS // (2 * _UNROLL)
    hdesc[0].wait()
    lax.fori_loop(0, n_half, build, 0)
    hdesc[1].wait()
    lax.fori_loop(n_half, 2 * n_half, build, 0)

    tbl_base = pl.multiple_of(c * _TBL + lo, 8)
    cdesc = pltpu.async_copy(tbl_v.at[pl.ds(0, _SLICE)],
                             table_hbm.at[pl.ds(tbl_base, _SLICE)], sem_o)

    base = w * _ROWS_PER_TILE
    n_chunks = _ROWS_PER_TILE // _CHUNK

    for t in range(_ROWS_PER_TILE // _L):
        tidx_v[pl.ds(t * _L, _L)] = (
            ids_v[pl.ds(base + t * _L, _L)] + c * _TBL)
    cdesc.wait()
    plsc.subcore_barrier()
    tdesc = [pltpu.async_copy(table_hbm.at[tidx_v.at[pl.ds(g * _CHUNK, _CHUNK)]],
                              widx_v.at[pl.ds(g * _CHUNK, _CHUNK)], sem_t)
             for g in range(n_chunks)]
    for d in tdesc:
        d.wait()

    def fire_rows(g):
        return pltpu.async_copy(
            values_hbm.at[widx_v.at[pl.ds(g * _CHUNK, _CHUNK)]],
            rows_v.at[g % 3], sem_r)

    rdesc = {g: fire_rows(g) for g in range(min(3, n_chunks))}
    odesc = {}
    for g in range(n_chunks):
        rdesc[g].wait()
        odesc[g] = pltpu.async_copy(
            rows_v.at[g % 3], out_hbm.at[pl.ds(base + g * _CHUNK, _CHUNK)],
            sem_o)
        if g + 3 < n_chunks:
            odesc[g].wait()
            rdesc[g + 3] = fire_rows(g + 3)
    for g in range(max(0, n_chunks - 3), n_chunks):
        odesc[g].wait()


def kernel(memory, node_ids, values):
    del memory
    out, _ = _sc_scatter_gather(node_ids, values)
    return out

# --- scband reference (transcript-rebuilt; emitter-appended) ---
"""Pipeline reference for scband-memory-28157805592673 (READ-ONLY COPY).

The authoritative reference and input builder live on the scoring server;
editing this copy changes nothing except your own understanding.
"""

import jax, jax.numpy as jnp
import numpy as np

N_NODES = 1000000
MEM_DIM = 128
BATCH = 16384


def setup_inputs(seed: int = 0) -> dict:
    key = jax.random.key(seed)
    k1, k2 = jax.random.split(key)
    # Memory is initialized to zeros per Memory.__init_memory__
    memory = jnp.zeros((N_NODES, MEM_DIM), dtype=jnp.float32)
    node_ids = jax.random.randint(k1, (BATCH,), 0, N_NODES, dtype=jnp.int32)
    values = jax.random.normal(k2, (BATCH, MEM_DIM), dtype=jnp.float32)
    return {"memory": memory, "node_ids": node_ids, "values": values}


def reference(memory, node_ids, values):
    # set_memory: self.memory[node_ids, :] = values  (scatter overwrite)
    updated = memory.at[node_ids].set(values)
    # get_memory: return self.memory[node_ids, :]   (gather)
    out = updated[node_ids]
    return out

if __name__ == "__main__":
    import jax
    _d = setup_inputs()
    print(jax.jit(kernel)(*tuple(_d.values())))

</pallas_src>

<mosaic_0001>
#map = affine_map<(d0, d1) -> (0)>
#map1 = affine_map<(d0, d1) -> (0, 0)>
module attributes {stable_mosaic.version = 14 : i64} {
  func.func @_sc_scatter_gather(%arg0: i32, %arg1: i32, %arg2: memref<16384xi32, #tpu.memory_space<hbm>>, %arg3: memref<16384x128xf32, #tpu.memory_space<hbm>>, %arg4: memref<16384x128xf32, #tpu.memory_space<hbm>>, %arg5: memref<2000128xi32, #tpu.memory_space<hbm>>, %arg6: memref<16384xi32, #tpu.memory_space<vmem>>, %arg7: memref<62512xi32, #tpu.memory_space<vmem>>, %arg8: memref<512xi32, #tpu.memory_space<vmem>>, %arg9: memref<512xi32, #tpu.memory_space<vmem>>, %arg10: memref<3x128x128xf32, #tpu.memory_space<vmem>>, %arg11: memref<!tpu.dma_semaphore, #tpu.memory_space<semaphore_mem>>, %arg12: memref<!tpu.dma_semaphore, #tpu.memory_space<semaphore_mem>>, %arg13: memref<!tpu.dma_semaphore, #tpu.memory_space<semaphore_mem>>) attributes {dimension_semantics = [#tpu.dimension_semantics<core_parallel>, #tpu.dimension_semantics<subcore_parallel>], iteration_bounds = array<i64: 2, 16>, scalar_prefetch = 0 : i64, scratch_operands = 8 : i64, tpu.core_type = #tpu.core_type<sc_vector_subcore>, window_params = [{transform_indices = #map}, {transform_indices = #map1}, {transform_indices = #map1}, {transform_indices = #map}]} {
    %mul3A = arith.constant 16 : i32
    %mul3A_0 = arith.muli %arg0, %mul3A : i32
    %add3A = arith.addi %mul3A_0, %arg1 : i32
    %dma_start3A = arith.constant 0 : i32
    %dma_start3A_1 = tpu.memref_slice %arg6[%dma_start3A] : memref<16384xi32, #tpu.memory_space<vmem>> -> memref<8192xi32, #tpu.memory_space<vmem>>
    %dma_start3A_2 = arith.constant 0 : i32
    %dma_start3A_3 = tpu.memref_slice %arg2[%dma_start3A_2] : memref<16384xi32, #tpu.memory_space<hbm>> -> memref<8192xi32, #tpu.memory_space<hbm>>
    %dma_start3A_4 = arith.constant 0 : i32
    %dma_start3A_5 = tpu.memref_slice %arg6[%dma_start3A_4] : memref<16384xi32, #tpu.memory_space<vmem>> -> memref<8192xi32, #tpu.memory_space<vmem>>
    %dma_start3A_6 = arith.constant 0 : i32
    %dma_start3A_7 = tpu.memref_slice %arg2[%dma_start3A_6] : memref<16384xi32, #tpu.memory_space<hbm>> -> memref<8192xi32, #tpu.memory_space<hbm>>
    tpu.enqueue_dma source(%dma_start3A_7 : memref<8192xi32, #tpu.memory_space<hbm>>) target(%dma_start3A_5 : memref<8192xi32, #tpu.memory_space<vmem>>) target_semaphore(%arg11 : memref<!tpu.dma_semaphore, #tpu.memory_space<semaphore_mem>>)
    %dma_start3A_8 = arith.constant 8192 : i32
    %dma_start3A_9 = tpu.memref_slice %arg6[%dma_start3A_8] : memref<16384xi32, #tpu.memory_space<vmem>> -> memref<8192xi32, #tpu.memory_space<vmem>>
    %dma_start3A_10 = arith.constant 8192 : i32
    %dma_start3A_11 = tpu.memref_slice %arg2[%dma_start3A_10] : memref<16384xi32, #tpu.memory_space<hbm>> -> memref<8192xi32, #tpu.memory_space<hbm>>
    %dma_start3A_12 = arith.constant 8192 : i32
    %dma_start3A_13 = tpu.memref_slice %arg6[%dma_start3A_12] : memref<16384xi32, #tpu.memory_space<vmem>> -> memref<8192xi32, #tpu.memory_space<vmem>>
    %dma_start3A_14 = arith.constant 8192 : i32
    %dma_start3A_15 = tpu.memref_slice %arg2[%dma_start3A_14] : memref<16384xi32, #tpu.memory_space<hbm>> -> memref<8192xi32, #tpu.memory_space<hbm>>
    tpu.enqueue_dma source(%dma_start3A_15 : memref<8192xi32, #tpu.memory_space<hbm>>) target(%dma_start3A_13 : memref<8192xi32, #tpu.memory_space<vmem>>) target_semaphore(%arg11 : memref<!tpu.dma_semaphore, #tpu.memory_space<semaphore_mem>>)
    %iota3A = tpu.iota {dimensions = array<i32: 0>} : vector<16xi32>
    %mul3A_16 = arith.constant 62504 : i32
    %mul3A_17 = arith.muli %arg1, %mul3A_16 : i32
    %dma_wait3A = arith.constant 0 : i32
    %dma_wait3A_18 = tpu.memref_slice %arg6[%dma_wait3A] : memref<16384xi32, #tpu.memory_space<vmem>> -> memref<8192xi32, #tpu.memory_space<vmem>>
    %dma_wait3A_19 = arith.constant 0 : i32
    %dma_wait3A_20 = tpu.memref_slice %arg2[%dma_wait3A_19] : memref<16384xi32, #tpu.memory_space<hbm>> -> memref<8192xi32, #tpu.memory_space<hbm>>
    %dma_wait3A_21 = arith.constant 0 : i32
    %dma_wait3A_22 = tpu.memref_slice %arg6[%dma_wait3A_21] : memref<16384xi32, #tpu.memory_space<vmem>> -> memref<8192xi32, #tpu.memory_space<vmem>>
    %dma_wait3A_23 = arith.constant 0 : i32
    %dma_wait3A_24 = tpu.memref_slice %arg2[%dma_wait3A_23] : memref<16384xi32, #tpu.memory_space<hbm>> -> memref<8192xi32, #tpu.memory_space<hbm>>
    tpu.wait_dma2 semaphore(%arg11 : memref<!tpu.dma_semaphore, #tpu.memory_space<semaphore_mem>>) src(%dma_wait3A_24 : memref<8192xi32, #tpu.memory_space<hbm>>) dst(%dma_wait3A_22 : memref<8192xi32, #tpu.memory_space<vmem>>)
    %scan3A = arith.constant 0 : i32
    %scan3A_25 = arith.constant 0 : i32
    %scan3A_26 = arith.constant 64 : i32
    %scan3A_27 = arith.addi %scan3A_25, %scan3A_26 : i32
    %scan3A_28 = arith.constant 1 : i32
    scf.for %scan3A_619 = %scan3A_25 to %scan3A_27 step %scan3A_28  : i32 {
      %mul3A_620 = arith.constant 8 : i32
      %mul3A_621 = arith.muli %scan3A_619, %mul3A_620 : i32
      %add3A_622 = arith.constant 0 : i32
      %add3A_623 = arith.addi %mul3A_621, %add3A_622 : i32
      %mul3A_624 = arith.constant 16 : i32
      %mul3A_625 = arith.muli %add3A_623, %mul3A_624 : i32
      %get3A_626 = arith.index_cast %mul3A_625 : i32 to index
      %get3A_627 = tpu.vector_load %arg6[%get3A_626] {strides = array<i32>} : memref<16384xi32, #tpu.memory_space<vmem>>, vector<16xi32>,
      %sub3A = vector.broadcast %mul3A_17 : i32 to vector<16xi32>
      %sub3A_628 = arith.subi %get3A_627, %sub3A : vector<16xi32>
      %bitcast3A = vector.bitcast %sub3A_628 : vector<16xi32> to vector<16xi32>
      %min3A = arith.constant 62504 : i32
      %min3A_629 = vector.broadcast %min3A : i32 to vector<16xi32>
      %min3A_630 = arith.minui %bitcast3A, %min3A_629 : vector<16xi32>
      %bitcast3A_631 = vector.bitcast %min3A_630 : vector<16xi32> to vector<16xi32>
      %mul3A_632 = arith.constant 16 : i32
      %mul3A_633 = arith.muli %add3A_623, %mul3A_632 : i32
      %add3A_634 = vector.broadcast %mul3A_633 : i32 to vector<16xi32>
      %add3A_635 = arith.addi %add3A_634, %iota3A : vector<16xi32>
      tpu.vector_store_idx %arg7[%bitcast3A_631], %add3A_635 : memref<62512xi32, #tpu.memory_space<vmem>>[vector<16xi32>], vector<16xi32>,
      %mul3A_636 = arith.constant 8 : i32
      %mul3A_637 = arith.muli %scan3A_619, %mul3A_636 : i32
      %add3A_638 = arith.constant 1 : i32
      %add3A_639 = arith.addi %mul3A_637, %add3A_638 : i32
      %mul3A_640 = arith.constant 16 : i32
      %mul3A_641 = arith.muli %add3A_639, %mul3A_640 : i32
      %get3A_642 = arith.index_cast %mul3A_641 : i32 to index
      %get3A_643 = tpu.vector_load %arg6[%get3A_642] {strides = array<i32>} : memref<16384xi32, #tpu.memory_space<vmem>>, vector<16xi32>,
      %sub3A_644 = vector.broadcast %mul3A_17 : i32 to vector<16xi32>
      %sub3A_645 = arith.subi %get3A_643, %sub3A_644 : vector<16xi32>
      %bitcast3A_646 = vector.bitcast %sub3A_645 : vector<16xi32> to vector<16xi32>
      %min3A_647 = arith.constant 62504 : i32
      %min3A_648 = vector.broadcast %min3A_647 : i32 to vector<16xi32>
      %min3A_649 = arith.minui %bitcast3A_646, %min3A_648 : vector<16xi32>
      %bitcast3A_650 = vector.bitcast %min3A_649 : vector<16xi32> to vector<16xi32>
      %mul3A_651 = arith.constant 16 : i32
      %mul3A_652 = arith.muli %add3A_639, %mul3A_651 : i32
      %add3A_653 = vector.broadcast %mul3A_652 : i32 to vector<16xi32>
      %add3A_654 = arith.addi %add3A_653, %iota3A : vector<16xi32>
      tpu.vector_store_idx %arg7[%bitcast3A_650], %add3A_654 : memref<62512xi32, #tpu.memory_space<vmem>>[vector<16xi32>], vector<16xi32>,
      %mul3A_655 = arith.constant 8 : i32
      %mul3A_656 = arith.muli %scan3A_619, %mul3A_655 : i32
      %add3A_657 = arith.constant 2 : i32
      %add3A_658 = arith.addi %mul3A_656, %add3A_657 : i32
      %mul3A_659 = arith.constant 16 : i32
      %mul3A_660 = arith.muli %add3A_658, %mul3A_659 : i32
      %get3A_661 = arith.index_cast %mul3A_660 : i32 to index
      %get3A_662 = tpu.vector_load %arg6[%get3A_661] {strides = array<i32>} : memref<16384xi32, #tpu.memory_space<vmem>>, vector<16xi32>,
      %sub3A_663 = vector.broadcast %mul3A_17 : i32 to vector<16xi32>
      %sub3A_664 = arith.subi %get3A_662, %sub3A_663 : vector<16xi32>
      %bitcast3A_665 = vector.bitcast %sub3A_664 : vector<16xi32> to vector<16xi32>
      %min3A_666 = arith.constant 62504 : i32
      %min3A_667 = vector.broadcast %min3A_666 : i32 to vector<16xi32>
      %min3A_668 = arith.minui %bitcast3A_665, %min3A_667 : vector<16xi32>
      %bitcast3A_669 = vector.bitcast %min3A_668 : vector<16xi32> to vector<16xi32>
      %mul3A_670 = arith.constant 16 : i32
      %mul3A_671 = arith.muli %add3A_658, %mul3A_670 : i32
      %add3A_672 = vector.broadcast %mul3A_671 : i32 to vector<16xi32>
      %add3A_673 = arith.addi %add3A_672, %iota3A : vector<16xi32>
      tpu.vector_store_idx %arg7[%bitcast3A_669], %add3A_673 : memref<62512xi32, #tpu.memory_space<vmem>>[vector<16xi32>], vector<16xi32>,
      %mul3A_674 = arith.constant 8 : i32
      %mul3A_675 = arith.muli %scan3A_619, %mul3A_674 : i32
      %add3A_676 = arith.constant 3 : i32
      %add3A_677 = arith.addi %mul3A_675, %add3A_676 : i32
      %mul3A_678 = arith.constant 16 : i32
      %mul3A_679 = arith.muli %add3A_677, %mul3A_678 : i32
      %get3A_680 = arith.index_cast %mul3A_679 : i32 to index
      %get3A_681 = tpu.vector_load %arg6[%get3A_680] {strides = array<i32>} : memref<16384xi32, #tpu.memory_space<vmem>>, vector<16xi32>,
      %sub3A_682 = vector.broadcast %mul3A_17 : i32 to vector<16xi32>
      %sub3A_683 = arith.subi %get3A_681, %sub3A_682 : vector<16xi32>
      %bitcast3A_684 = vector.bitcast %sub3A_683 : vector<16xi32> to vector<16xi32>
      %min3A_685 = arith.constant 62504 : i32
      %min3A_686 = vector.broadcast %min3A_685 : i32 to vector<16xi32>
      %min3A_687 = arith.minui %bitcast3A_684, %min3A_686 : vector<16xi32>
      %bitcast3A_688 = vector.bitcast %min3A_687 : vector<16xi32> to vector<16xi32>
      %mul3A_689 = arith.constant 16 : i32
      %mul3A_690 = arith.muli %add3A_677, %mul3A_689 : i32
      %add3A_691 = vector.broadcast %mul3A_690 : i32 to vector<16xi32>
      %add3A_692 = arith.addi %add3A_691, %iota3A : vector<16xi32>
      tpu.vector_store_idx %arg7[%bitcast3A_688], %add3A_692 : memref<62512xi32, #tpu.memory_space<vmem>>[vector<16xi32>], vector<16xi32>,
      %mul3A_693 = arith.constant 8 : i32
      %mul3A_694 = arith.muli %scan3A_619, %mul3A_693 : i32
      %add3A_695 = arith.constant 4 : i32
      %add3A_696 = arith.addi %mul3A_694, %add3A_695 : i32
      %mul3A_697 = arith.constant 16 : i32
      %mul3A_698 = arith.muli %add3A_696, %mul3A_697 : i32
      %get3A_699 = arith.index_cast %mul3A_698 : i32 to index
      %get3A_700 = tpu.vector_load %arg6[%get3A_699] {strides = array<i32>} : memref<16384xi32, #tpu.memory_space<vmem>>, vector<16xi32>,
      %sub3A_701 = vector.broadcast %mul3A_17 : i32 to vector<16xi32>
      %sub3A_702 = arith.subi %get3A_700, %sub3A_701 : vector<16xi32>
      %bitcast3A_703 = vector.bitcast %sub3A_702 : vector<16xi32> to vector<16xi32>
      %min3A_704 = arith.constant 62504 : i32
      %min3A_705 = vector.broadcast %min3A_704 : i32 to vector<16xi32>
      %min3A_706 = arith.minui %bitcast3A_703, %min3A_705 : vector<16xi32>
      %bitcast3A_707 = vector.bitcast %min3A_706 : vector<16xi32> to vector<16xi32>
      %mul3A_708 = arith.constant 16 : i32
      %mul3A_709 = arith.muli %add3A_696, %mul3A_708 : i32
      %add3A_710 = vector.broadcast %mul3A_709 : i32 to vector<16xi32>
      %add3A_711 = arith.addi %add3A_710, %iota3A : vector<16xi32>
      tpu.vector_store_idx %arg7[%bitcast3A_707], %add3A_711 : memref<62512xi32, #tpu.memory_space<vmem>>[vector<16xi32>], vector<16xi32>,
      %mul3A_712 = arith.constant 8 : i32
      %mul3A_713 = arith.muli %scan3A_619, %mul3A_712 : i32
      %add3A_714 = arith.constant 5 : i32
      %add3A_715 = arith.addi %mul3A_713, %add3A_714 : i32
      %mul3A_716 = arith.constant 16 : i32
      %mul3A_717 = arith.muli %add3A_715, %mul3A_716 : i32
      %get3A_718 = arith.index_cast %mul3A_717 : i32 to index
      %get3A_719 = tpu.vector_load %arg6[%get3A_718] {strides = array<i32>} : memref<16384xi32, #tpu.memory_space<vmem>>, vector<16xi32>,
      %sub3A_720 = vector.broadcast %mul3A_17 : i32 to vector<16xi32>
      %sub3A_721 = arith.subi %get3A_719, %sub3A_720 : vector<16xi32>
      %bitcast3A_722 = vector.bitcast %sub3A_721 : vector<16xi32> to vector<16xi32>
      %min3A_723 = arith.constant 62504 : i32
      %min3A_724 = vector.broadcast %min3A_723 : i32 to vector<16xi32>
      %min3A_725 = arith.minui %bitcast3A_722, %min3A_724 : vector<16xi32>
      %bitcast3A_726 = vector.bitcast %min3A_725 : vector<16xi32> to vector<16xi32>
      %mul3A_727 = arith.constant 16 : i32
      %mul3A_728 = arith.muli %add3A_715, %mul3A_727 : i32
      %add3A_729 = vector.broadcast %mul3A_728 : i32 to vector<16xi32>
      %add3A_730 = arith.addi %add3A_729, %iota3A : vector<16xi32>
      tpu.vector_store_idx %arg7[%bitcast3A_726], %add3A_730 : memref<62512xi32, #tpu.memory_space<vmem>>[vector<16xi32>], vector<16xi32>,
      %mul3A_731 = arith.constant 8 : i32
      %mul3A_732 = arith.muli %scan3A_619, %mul3A_731 : i32
      %add3A_733 = arith.constant 6 : i32
      %add3A_734 = arith.addi %mul3A_732, %add3A_733 : i32
      %mul3A_735 = arith.constant 16 : i32
      %mul3A_736 = arith.muli %add3A_734, %mul3A_735 : i32
      %get3A_737 = arith.index_cast %mul3A_736 : i32 to index
      %get3A_738 = tpu.vector_load %arg6[%get3A_737] {strides = array<i32>} : memref<16384xi32, #tpu.memory_space<vmem>>, vector<16xi32>,
      %sub3A_739 = vector.broadcast %mul3A_17 : i32 to vector<16xi32>
      %sub3A_740 = arith.subi %get3A_738, %sub3A_739 : vector<16xi32>
      %bitcast3A_741 = vector.bitcast %sub3A_740 : vector<16xi32> to vector<16xi32>
      %min3A_742 = arith.constant 62504 : i32
      %min3A_743 = vector.broadcast %min3A_742 : i32 to vector<16xi32>
      %min3A_744 = arith.minui %bitcast3A_741, %min3A_743 : vector<16xi32>
      %bitcast3A_745 = vector.bitcast %min3A_744 : vector<16xi32> to vector<16xi32>
      %mul3A_746 = arith.constant 16 : i32
      %mul3A_747 = arith.muli %add3A_734, %mul3A_746 : i32
      %add3A_748 = vector.broadcast %mul3A_747 : i32 to vector<16xi32>
      %add3A_749 = arith.addi %add3A_748, %iota3A : vector<16xi32>
      tpu.vector_store_idx %arg7[%bitcast3A_745], %add3A_749 : memref<62512xi32, #tpu.memory_space<vmem>>[vector<16xi32>], vector<16xi32>,
      %mul3A_750 = arith.constant 8 : i32
      %mul3A_751 = arith.muli %scan3A_619, %mul3A_750 : i32
      %add3A_752 = arith.constant 7 : i32
      %add3A_753 = arith.addi %mul3A_751, %add3A_752 : i32
      %mul3A_754 = arith.constant 16 : i32
      %mul3A_755 = arith.muli %add3A_753, %mul3A_754 : i32
      %get3A_756 = arith.index_cast %mul3A_755 : i32 to index
      %get3A_757 = tpu.vector_load %arg6[%get3A_756] {strides = array<i32>} : memref<16384xi32, #tpu.memory_space<vmem>>, vector<16xi32>,
      %sub3A_758 = vector.broadcast %mul3A_17 : i32 to vector<16xi32>
      %sub3A_759 = arith.subi %get3A_757, %sub3A_758 : vector<16xi32>
      %bitcast3A_760 = vector.bitcast %sub3A_759 : vector<16xi32> to vector<16xi32>
      %min3A_761 = arith.constant 62504 : i32
      %min3A_762 = vector.broadcast %min3A_761 : i32 to vector<16xi32>
      %min3A_763 = arith.minui %bitcast3A_760, %min3A_762 : vector<16xi32>
      %bitcast3A_764 = vector.bitcast %min3A_763 : vector<16xi32> to vector<16xi32>
      %mul3A_765 = arith.constant 16 : i32
      %mul3A_766 = arith.muli %add3A_753, %mul3A_765 : i32
      %add3A_767 = vector.broadcast %mul3A_766 : i32 to vector<16xi32>
      %add3A_768 = arith.addi %add3A_767, %iota3A : vector<16xi32>
      tpu.vector_store_idx %arg7[%bitcast3A_764], %add3A_768 : memref<62512xi32, #tpu.memory_space<vmem>>[vector<16xi32>], vector<16xi32>,
    }
    %scan3A_29 = arith.constant 64 : i32
    %dma_wait3A_30 = arith.constant 8192 : i32
    %dma_wait3A_31 = tpu.memref_slice %arg6[%dma_wait3A_30] : memref<16384xi32, #tpu.memory_space<vmem>> -> memref<8192xi32, #tpu.memory_space<vmem>>
    %dma_wait3A_32 = arith.constant 8192 : i32
    %dma_wait3A_33 = tpu.memref_slice %arg2[%dma_wait3A_32] : memref<16384xi32, #tpu.memory_space<hbm>> -> memref<8192xi32, #tpu.memory_space<hbm>>
    %dma_wait3A_34 = arith.constant 8192 : i32
    %dma_wait3A_35 = tpu.memref_slice %arg6[%dma_wait3A_34] : memref<16384xi32, #tpu.memory_space<vmem>> -> memref<8192xi32, #tpu.memory_space<vmem>>
    %dma_wait3A_36 = arith.constant 8192 : i32
    %dma_wait3A_37 = tpu.memref_slice %arg2[%dma_wait3A_36] : memref<16384xi32, #tpu.memory_space<hbm>> -> memref<8192xi32, #tpu.memory_space<hbm>>
    tpu.wait_dma2 semaphore(%arg11 : memref<!tpu.dma_semaphore, #tpu.memory_space<semaphore_mem>>) src(%dma_wait3A_37 : memref<8192xi32, #tpu.memory_space<hbm>>) dst(%dma_wait3A_35 : memref<8192xi32, #tpu.memory_space<vmem>>)
    %scan3A_38 = arith.constant 0 : i32
    %scan3A_39 = arith.constant 64 : i32
    %scan3A_40 = arith.constant 64 : i32
    %scan3A_41 = arith.addi %scan3A_39, %scan3A_40 : i32
    %scan3A_42 = arith.constant 1 : i32
    scf.for %scan3A_619 = %scan3A_39 to %scan3A_41 step %scan3A_42  : i32 {
      %mul3A_620 = arith.constant 8 : i32
      %mul3A_621 = arith.muli %scan3A_619, %mul3A_620 : i32
      %add3A_622 = arith.constant 0 : i32
      %add3A_623 = arith.addi %mul3A_621, %add3A_622 : i32
      %mul3A_624 = arith.constant 16 : i32
      %mul3A_625 = arith.muli %add3A_623, %mul3A_624 : i32
      %get3A_626 = arith.index_cast %mul3A_625 : i32 to index
      %get3A_627 = tpu.vector_load %arg6[%get3A_626] {strides = array<i32>} : memref<16384xi32, #tpu.memory_space<vmem>>, vector<16xi32>,
      %sub3A = vector.broadcast %mul3A_17 : i32 to vector<16xi32>
      %sub3A_628 = arith.subi %get3A_627, %sub3A : vector<16xi32>
      %bitcast3A = vector.bitcast %sub3A_628 : vector<16xi32> to vector<16xi32>
      %min3A = arith.constant 62504 : i32
      %min3A_629 = vector.broadcast %min3A : i32 to vector<16xi32>
      %min3A_630 = arith.minui %bitcast3A, %min3A_629 : vector<16xi32>
      %bitcast3A_631 = vector.bitcast %min3A_630 : vector<16xi32> to vector<16xi32>
      %mul3A_632 = arith.constant 16 : i32
      %mul3A_633 = arith.muli %add3A_623, %mul3A_632 : i32
      %add3A_634 = vector.broadcast %mul3A_633 : i32 to vector<16xi32>
      %add3A_635 = arith.addi %add3A_634, %iota3A : vector<16xi32>
      tpu.vector_store_idx %arg7[%bitcast3A_631], %add3A_635 : memref<62512xi32, #tpu.memory_space<vmem>>[vector<16xi32>], vector<16xi32>,
      %mul3A_636 = arith.constant 8 : i32
      %mul3A_637 = arith.muli %scan3A_619, %mul3A_636 : i32
      %add3A_638 = arith.constant 1 : i32
      %add3A_639 = arith.addi %mul3A_637, %add3A_638 : i32
      %mul3A_640 = arith.constant 16 : i32
      %mul3A_641 = arith.muli %add3A_639, %mul3A_640 : i32
      %get3A_642 = arith.index_cast %mul3A_641 : i32 to index
      %get3A_643 = tpu.vector_load %arg6[%get3A_642] {strides = array<i32>} : memref<16384xi32, #tpu.memory_space<vmem>>, vector<16xi32>,
      %sub3A_644 = vector.broadcast %mul3A_17 : i32 to vector<16xi32>
      %sub3A_645 = arith.subi %get3A_643, %sub3A_644 : vector<16xi32>
      %bitcast3A_646 = vector.bitcast %sub3A_645 : vector<16xi32> to vector<16xi32>
      %min3A_647 = arith.constant 62504 : i32
      %min3A_648 = vector.broadcast %min3A_647 : i32 to vector<16xi32>
      %min3A_649 = arith.minui %bitcast3A_646, %min3A_648 : vector<16xi32>
      %bitcast3A_650 = vector.bitcast %min3A_649 : vector<16xi32> to vector<16xi32>
      %mul3A_651 = arith.constant 16 : i32
      %mul3A_652 = arith.muli %add3A_639, %mul3A_651 : i32
      %add3A_653 = vector.broadcast %mul3A_652 : i32 to vector<16xi32>
      %add3A_654 = arith.addi %add3A_653, %iota3A : vector<16xi32>
      tpu.vector_store_idx %arg7[%bitcast3A_650], %add3A_654 : memref<62512xi32, #tpu.memory_space<vmem>>[vector<16xi32>], vector<16xi32>,
      %mul3A_655 = arith.constant 8 : i32
      %mul3A_656 = arith.muli %scan3A_619, %mul3A_655 : i32
      %add3A_657 = arith.constant 2 : i32
      %add3A_658 = arith.addi %mul3A_656, %add3A_657 : i32
      %mul3A_659 = arith.constant 16 : i32
      %mul3A_660 = arith.muli %add3A_658, %mul3A_659 : i32
      %get3A_661 = arith.index_cast %mul3A_660 : i32 to index
      %get3A_662 = tpu.vector_load %arg6[%get3A_661] {strides = array<i32>} : memref<16384xi32, #tpu.memory_space<vmem>>, vector<16xi32>,
      %sub3A_663 = vector.broadcast %mul3A_17 : i32 to vector<16xi32>
      %sub3A_664 = arith.subi %get3A_662, %sub3A_663 : vector<16xi32>
      %bitcast3A_665 = vector.bitcast %sub3A_664 : vector<16xi32> to vector<16xi32>
      %min3A_666 = arith.constant 62504 : i32
      %min3A_667 = vector.broadcast %min3A_666 : i32 to vector<16xi32>
      %min3A_668 = arith.minui %bitcast3A_665, %min3A_667 : vector<16xi32>
      %bitcast3A_669 = vector.bitcast %min3A_668 : vector<16xi32> to vector<16xi32>
      %mul3A_670 = arith.constant 16 : i32
      %mul3A_671 = arith.muli %add3A_658, %mul3A_670 : i32
      %add3A_672 = vector.broadcast %mul3A_671 : i32 to vector<16xi32>
      %add3A_673 = arith.addi %add3A_672, %iota3A : vector<16xi32>
      tpu.vector_store_idx %arg7[%bitcast3A_669], %add3A_673 : memref<62512xi32, #tpu.memory_space<vmem>>[vector<16xi32>], vector<16xi32>,
      %mul3A_674 = arith.constant 8 : i32
      %mul3A_675 = arith.muli %scan3A_619, %mul3A_674 : i32
      %add3A_676 = arith.constant 3 : i32
      %add3A_677 = arith.addi %mul3A_675, %add3A_676 : i32
      %mul3A_678 = arith.constant 16 : i32
      %mul3A_679 = arith.muli %add3A_677, %mul3A_678 : i32
      %get3A_680 = arith.index_cast %mul3A_679 : i32 to index
      %get3A_681 = tpu.vector_load %arg6[%get3A_680] {strides = array<i32>} : memref<16384xi32, #tpu.memory_space<vmem>>, vector<16xi32>,
      %sub3A_682 = vector.broadcast %mul3A_17 : i32 to vector<16xi32>
      %sub3A_683 = arith.subi %get3A_681, %sub3A_682 : vector<16xi32>
      %bitcast3A_684 = vector.bitcast %sub3A_683 : vector<16xi32> to vector<16xi32>
      %min3A_685 = arith.constant 62504 : i32
      %min3A_686 = vector.broadcast %min3A_685 : i32 to vector<16xi32>
      %min3A_687 = arith.minui %bitcast3A_684, %min3A_686 : vector<16xi32>
      %bitcast3A_688 = vector.bitcast %min3A_687 : vector<16xi32> to vector<16xi32>
      %mul3A_689 = arith.constant 16 : i32
      %mul3A_690 = arith.muli %add3A_677, %mul3A_689 : i32
      %add3A_691 = vector.broadcast %mul3A_690 : i32 to vector<16xi32>
      %add3A_692 = arith.addi %add3A_691, %iota3A : vector<16xi32>
      tpu.vector_store_idx %arg7[%bitcast3A_688], %add3A_692 : memref<62512xi32, #tpu.memory_space<vmem>>[vector<16xi32>], vector<16xi32>,
      %mul3A_693 = arith.constant 8 : i32
      %mul3A_694 = arith.muli %scan3A_619, %mul3A_693 : i32
      %add3A_695 = arith.constant 4 : i32
      %add3A_696 = arith.addi %mul3A_694, %add3A_695 : i32
      %mul3A_697 = arith.constant 16 : i32
      %mul3A_698 = arith.muli %add3A_696, %mul3A_697 : i32
      %get3A_699 = arith.index_cast %mul3A_698 : i32 to index
      %get3A_700 = tpu.vector_load %arg6[%get3A_699] {strides = array<i32>} : memref<16384xi32, #tpu.memory_space<vmem>>, vector<16xi32>,
      %sub3A_701 = vector.broadcast %mul3A_17 : i32 to vector<16xi32>
      %sub3A_702 = arith.subi %get3A_700, %sub3A_701 : vector<16xi32>
      %bitcast3A_703 = vector.bitcast %sub3A_702 : vector<16xi32> to vector<16xi32>
      %min3A_704 = arith.constant 62504 : i32
      %min3A_705 = vector.broadcast %min3A_704 : i32 to vector<16xi32>
      %min3A_706 = arith.minui %bitcast3A_703, %min3A_705 : vector<16xi32>
      %bitcast3A_707 = vector.bitcast %min3A_706 : vector<16xi32> to vector<16xi32>
      %mul3A_708 = arith.constant 16 : i32
      %mul3A_709 = arith.muli %add3A_696, %mul3A_708 : i32
      %add3A_710 = vector.broadcast %mul3A_709 : i32 to vector<16xi32>
      %add3A_711 = arith.addi %add3A_710, %iota3A : vector<16xi32>
      tpu.vector_store_idx %arg7[%bitcast3A_707], %add3A_711 : memref<62512xi32, #tpu.memory_space<vmem>>[vector<16xi32>], vector<16xi32>,
      %mul3A_712 = arith.constant 8 : i32
      %mul3A_713 = arith.muli %scan3A_619, %mul3A_712 : i32
      %add3A_714 = arith.constant 5 : i32
      %add3A_715 = arith.addi %mul3A_713, %add3A_714 : i32
      %mul3A_716 = arith.constant 16 : i32
      %mul3A_717 = arith.muli %add3A_715, %mul3A_716 : i32
      %get3A_718 = arith.index_cast %mul3A_717 : i32 to index
      %get3A_719 = tpu.vector_load %arg6[%get3A_718] {strides = array<i32>} : memref<16384xi32, #tpu.memory_space<vmem>>, vector<16xi32>,
      %sub3A_720 = vector.broadcast %mul3A_17 : i32 to vector<16xi32>
      %sub3A_721 = arith.subi %get3A_719, %sub3A_720 : vector<16xi32>
      %bitcast3A_722 = vector.bitcast %sub3A_721 : vector<16xi32> to vector<16xi32>
      %min3A_723 = arith.constant 62504 : i32
      %min3A_724 = vector.broadcast %min3A_723 : i32 to vector<16xi32>
      %min3A_725 = arith.minui %bitcast3A_722, %min3A_724 : vector<16xi32>
      %bitcast3A_726 = vector.bitcast %min3A_725 : vector<16xi32> to vector<16xi32>
      %mul3A_727 = arith.constant 16 : i32
      %mul3A_728 = arith.muli %add3A_715, %mul3A_727 : i32
      %add3A_729 = vector.broadcast %mul3A_728 : i32 to vector<16xi32>
      %add3A_730 = arith.addi %add3A_729, %iota3A : vector<16xi32>
      tpu.vector_store_idx %arg7[%bitcast3A_726], %add3A_730 : memref<62512xi32, #tpu.memory_space<vmem>>[vector<16xi32>], vector<16xi32>,
      %mul3A_731 = arith.constant 8 : i32
      %mul3A_732 = arith.muli %scan3A_619, %mul3A_731 : i32
      %add3A_733 = arith.constant 6 : i32
      %add3A_734 = arith.addi %mul3A_732, %add3A_733 : i32
      %mul3A_735 = arith.constant 16 : i32
      %mul3A_736 = arith.muli %add3A_734, %mul3A_735 : i32
      %get3A_737 = arith.index_cast %mul3A_736 : i32 to index
      %get3A_738 = tpu.vector_load %arg6[%get3A_737] {strides = array<i32>} : memref<16384xi32, #tpu.memory_space<vmem>>, vector<16xi32>,
      %sub3A_739 = vector.broadcast %mul3A_17 : i32 to vector<16xi32>
      %sub3A_740 = arith.subi %get3A_738, %sub3A_739 : vector<16xi32>
      %bitcast3A_741 = vector.bitcast %sub3A_740 : vector<16xi32> to vector<16xi32>
      %min3A_742 = arith.constant 62504 : i32
      %min3A_743 = vector.broadcast %min3A_742 : i32 to vector<16xi32>
      %min3A_744 = arith.minui %bitcast3A_741, %min3A_743 : vector<16xi32>
      %bitcast3A_745 = vector.bitcast %min3A_744 : vector<16xi32> to vector<16xi32>
      %mul3A_746 = arith.constant 16 : i32
      %mul3A_747 = arith.muli %add3A_734, %mul3A_746 : i32
      %add3A_748 = vector.broadcast %mul3A_747 : i32 to vector<16xi32>
      %add3A_749 = arith.addi %add3A_748, %iota3A : vector<16xi32>
      tpu.vector_store_idx %arg7[%bitcast3A_745], %add3A_749 : memref<62512xi32, #tpu.memory_space<vmem>>[vector<16xi32>], vector<16xi32>,
      %mul3A_750 = arith.constant 8 : i32
      %mul3A_751 = arith.muli %scan3A_619, %mul3A_750 : i32
      %add3A_752 = arith.constant 7 : i32
      %add3A_753 = arith.addi %mul3A_751, %add3A_752 : i32
      %mul3A_754 = arith.constant 16 : i32
      %mul3A_755 = arith.muli %add3A_753, %mul3A_754 : i32
      %get3A_756 = arith.index_cast %mul3A_755 : i32 to index
      %get3A_757 = tpu.vector_load %arg6[%get3A_756] {strides = array<i32>} : memref<16384xi32, #tpu.memory_space<vmem>>, vector<16xi32>,
      %sub3A_758 = vector.broadcast %mul3A_17 : i32 to vector<16xi32>
      %sub3A_759 = arith.subi %get3A_757, %sub3A_758 : vector<16xi32>
      %bitcast3A_760 = vector.bitcast %sub3A_759 : vector<16xi32> to vector<16xi32>
      %min3A_761 = arith.constant 62504 : i32
      %min3A_762 = vector.broadcast %min3A_761 : i32 to vector<16xi32>
      %min3A_763 = arith.minui %bitcast3A_760, %min3A_762 : vector<16xi32>
      %bitcast3A_764 = vector.bitcast %min3A_763 : vector<16xi32> to vector<16xi32>
      %mul3A_765 = arith.constant 16 : i32
      %mul3A_766 = arith.muli %add3A_753, %mul3A_765 : i32
      %add3A_767 = vector.broadcast %mul3A_766 : i32 to vector<16xi32>
      %add3A_768 = arith.addi %add3A_767, %iota3A : vector<16xi32>
      tpu.vector_store_idx %arg7[%bitcast3A_764], %add3A_768 : memref<62512xi32, #tpu.memory_space<vmem>>[vector<16xi32>], vector<16xi32>,
    }
    %scan3A_43 = arith.constant 64 : i32
    %mul3A_44 = arith.constant 1000064 : i32
    %mul3A_45 = arith.muli %arg0, %mul3A_44 : i32
    %add3A_46 = arith.addi %mul3A_45, %mul3A_17 : i32
    %multiple_of3A = tpu.assume_multiple %add3A_46, 8 : i32
    %dma_start3A_47 = arith.constant 0 : i32
    %dma_start3A_48 = tpu.memref_slice %arg7[%dma_start3A_47] : memref<62512xi32, #tpu.memory_space<vmem>> -> memref<62504xi32, #tpu.memory_space<vmem>>
    %dma_start3A_49 = tpu.memref_slice %arg5[%multiple_of3A] : memref<2000128xi32, #tpu.memory_space<hbm>> -> memref<62504xi32, #tpu.memory_space<hbm>>
    %dma_start3A_50 = tpu.memref_slice %arg5[%multiple_of3A] : memref<2000128xi32, #tpu.memory_space<hbm>> -> memref<62504xi32, #tpu.memory_space<hbm>>
    %dma_start3A_51 = arith.constant 0 : i32
    %dma_start3A_52 = tpu.memref_slice %arg7[%dma_start3A_51] : memref<62512xi32, #tpu.memory_space<vmem>> -> memref<62504xi32, #tpu.memory_space<vmem>>
    tpu.enqueue_dma source(%dma_start3A_52 : memref<62504xi32, #tpu.memory_space<vmem>>) target(%dma_start3A_50 : memref<62504xi32, #tpu.memory_space<hbm>>) target_semaphore(%arg13 : memref<!tpu.dma_semaphore, #tpu.memory_space<semaphore_mem>>)
    %mul3A_53 = arith.constant 512 : i32
    %mul3A_54 = arith.muli %add3A, %mul3A_53 : i32
    %add3A_55 = arith.constant 0 : i32
    %add3A_56 = arith.addi %mul3A_54, %add3A_55 : i32
    %get3A = arith.index_cast %add3A_56 : i32 to index
    %get3A_57 = tpu.vector_load %arg6[%get3A] {strides = array<i32>} : memref<16384xi32, #tpu.memory_space<vmem>>, vector<16xi32>,
    %mul3A_58 = arith.constant 1000064 : i32
    %mul3A_59 = arith.muli %arg0, %mul3A_58 : i32
    %add3A_60 = vector.broadcast %mul3A_59 : i32 to vector<16xi32>
    %add3A_61 = arith.addi %get3A_57, %add3A_60 : vector<16xi32>
    %swap3A = arith.constant 0 : index
    %swap3A_62 = tpu.vector_load %arg8[%swap3A] {strides = array<i32>} : memref<512xi32, #tpu.memory_space<vmem>>, vector<16xi32>,
    tpu.vector_store %arg8[%swap3A], %add3A_61 {strides = array<i32>} : memref<512xi32, #tpu.memory_space<vmem>>, vector<16xi32>,
    %add3A_63 = arith.constant 16 : i32
    %add3A_64 = arith.addi %mul3A_54, %add3A_63 : i32
    %get3A_65 = arith.index_cast %add3A_64 : i32 to index
    %get3A_66 = tpu.vector_load %arg6[%get3A_65] {strides = array<i32>} : memref<16384xi32, #tpu.memory_space<vmem>>, vector<16xi32>,
    %mul3A_67 = arith.constant 1000064 : i32
    %mul3A_68 = arith.muli %arg0, %mul3A_67 : i32
    %add3A_69 = vector.broadcast %mul3A_68 : i32 to vector<16xi32>
    %add3A_70 = arith.addi %get3A_66, %add3A_69 : vector<16xi32>
    %swap3A_71 = arith.constant 16 : index
    %swap3A_72 = tpu.vector_load %arg8[%swap3A_71] {strides = array<i32>} : memref<512xi32, #tpu.memory_space<vmem>>, vector<16xi32>,
    tpu.vector_store %arg8[%swap3A_71], %add3A_70 {strides = array<i32>} : memref<512xi32, #tpu.memory_space<vmem>>, vector<16xi32>,
    %add3A_73 = arith.constant 32 : i32
    %add3A_74 = arith.addi %mul3A_54, %add3A_73 : i32
    %get3A_75 = arith.index_cast %add3A_74 : i32 to index
    %get3A_76 = tpu.vector_load %arg6[%get3A_75] {strides = array<i32>} : memref<16384xi32, #tpu.memory_space<vmem>>, vector<16xi32>,
    %mul3A_77 = arith.constant 1000064 : i32
    %mul3A_78 = arith.muli %arg0, %mul3A_77 : i32
    %add3A_79 = vector.broadcast %mul3A_78 : i32 to vector<16xi32>
    %add3A_80 = arith.addi %get3A_76, %add3A_79 : vector<16xi32>
    %swap3A_81 = arith.constant 32 : index
    %swap3A_82 = tpu.vector_load %arg8[%swap3A_81] {strides = array<i32>} : memref<512xi32, #tpu.memory_space<vmem>>, vector<16xi32>,
    tpu.vector_store %arg8[%swap3A_81], %add3A_80 {strides = array<i32>} : memref<512xi32, #tpu.memory_space<vmem>>, vector<16xi32>,
    %add3A_83 = arith.constant 48 : i32
    %add3A_84 = arith.addi %mul3A_54, %add3A_83 : i32
    %get3A_85 = arith.index_cast %add3A_84 : i32 to index
    %get3A_86 = tpu.vector_load %arg6[%get3A_85] {strides = array<i32>} : memref<16384xi32, #tpu.memory_space<vmem>>, vector<16xi32>,
    %mul3A_87 = arith.constant 1000064 : i32
    %mul3A_88 = arith.muli %arg0, %mul3A_87 : i32
    %add3A_89 = vector.broadcast %mul3A_88 : i32 to vector<16xi32>
    %add3A_90 = arith.addi %get3A_86, %add3A_89 : vector<16xi32>
    %swap3A_91 = arith.constant 48 : index
    %swap3A_92 = tpu.vector_load %arg8[%swap3A_91] {strides = array<i32>} : memref<512xi32, #tpu.memory_space<vmem>>, vector<16xi32>,
    tpu.vector_store %arg8[%swap3A_91], %add3A_90 {strides = array<i32>} : memref<512xi32, #tpu.memory_space<vmem>>, vector<16xi32>,
    %add3A_93 = arith.constant 64 : i32
    %add3A_94 = arith.addi %mul3A_54, %add3A_93 : i32
    %get3A_95 = arith.index_cast %add3A_94 : i32 to index
    %get3A_96 = tpu.vector_load %arg6[%get3A_95] {strides = array<i32>} : memref<16384xi32, #tpu.memory_space<vmem>>, vector<16xi32>,
    %mul3A_97 = arith.constant 1000064 : i32
    %mul3A_98 = arith.muli %arg0, %mul3A_97 : i32
    %add3A_99 = vector.broadcast %mul3A_98 : i32 to vector<16xi32>
    %add3A_100 = arith.addi %get3A_96, %add3A_99 : vector<16xi32>
    %swap3A_101 = arith.constant 64 : index
    %swap3A_102 = tpu.vector_load %arg8[%swap3A_101] {strides = array<i32>} : memref<512xi32, #tpu.memory_space<vmem>>, vector<16xi32>,
    tpu.vector_store %arg8[%swap3A_101], %add3A_100 {strides = array<i32>} : memref<512xi32, #tpu.memory_space<vmem>>, vector<16xi32>,
    %add3A_103 = arith.constant 80 : i32
    %add3A_104 = arith.addi %mul3A_54, %add3A_103 : i32
    %get3A_105 = arith.index_cast %add3A_104 : i32 to index
    %get3A_106 = tpu.vector_load %arg6[%get3A_105] {strides = array<i32>} : memref<16384xi32, #tpu.memory_space<vmem>>, vector<16xi32>,
    %mul3A_107 = arith.constant 1000064 : i32
    %mul3A_108 = arith.muli %arg0, %mul3A_107 : i32
    %add3A_109 = vector.broadcast %mul3A_108 : i32 to vector<16xi32>
    %add3A_110 = arith.addi %get3A_106, %add3A_109 : vector<16xi32>
    %swap3A_111 = arith.constant 80 : index
    %swap3A_112 = tpu.vector_load %arg8[%swap3A_111] {strides = array<i32>} : memref<512xi32, #tpu.memory_space<vmem>>, vector<16xi32>,
    tpu.vector_store %arg8[%swap3A_111], %add3A_110 {strides = array<i32>} : memref<512xi32, #tpu.memory_space<vmem>>, vector<16xi32>,
    %add3A_113 = arith.constant 96 : i32
    %add3A_114 = arith.addi %mul3A_54, %add3A_113 : i32
    %get3A_115 = arith.index_cast %add3A_114 : i32 to index
    %get3A_116 = tpu.vector_load %arg6[%get3A_115] {strides = array<i32>} : memref<16384xi32, #tpu.memory_space<vmem>>, vector<16xi32>,
    %mul3A_117 = arith.constant 1000064 : i32
    %mul3A_118 = arith.muli %arg0, %mul3A_117 : i32
    %add3A_119 = vector.broadcast %mul3A_118 : i32 to vector<16xi32>
    %add3A_120 = arith.addi %get3A_116, %add3A_119 : vector<16xi32>
    %swap3A_121 = arith.constant 96 : index
    %swap3A_122 = tpu.vector_load %arg8[%swap3A_121] {strides = array<i32>} : memref<512xi32, #tpu.memory_space<vmem>>, vector<16xi32>,
    tpu.vector_store %arg8[%swap3A_121], %add3A_120 {strides = array<i32>} : memref<512xi32, #tpu.memory_space<vmem>>, vector<16xi32>,
    %add3A_123 = arith.constant 112 : i32
    %add3A_124 = arith.addi %mul3A_54, %add3A_123 : i32
    %get3A_125 = arith.index_cast %add3A_124 : i32 to index
    %get3A_126 = tpu.vector_load %arg6[%get3A_125] {strides = array<i32>} : memref<16384xi32, #tpu.memory_space<vmem>>, vector<16xi32>,
    %mul3A_127 = arith.constant 1000064 : i32
    %mul3A_128 = arith.muli %arg0, %mul3A_127 : i32
    %add3A_129 = vector.broadcast %mul3A_128 : i32 to vector<16xi32>
    %add3A_130 = arith.addi %get3A_126, %add3A_129 : vector<16xi32>
    %swap3A_131 = arith.constant 112 : index
    %swap3A_132 = tpu.vector_load %arg8[%swap3A_131] {strides = array<i32>} : memref<512xi32, #tpu.memory_space<vmem>>, vector<16xi32>,
    tpu.vector_store %arg8[%swap3A_131], %add3A_130 {strides = array<i32>} : memref<512xi32, #tpu.memory_space<vmem>>, vector<16xi32>,
    %add3A_133 = arith.constant 128 : i32
    %add3A_134 = arith.addi %mul3A_54, %add3A_133 : i32
    %get3A_135 = arith.index_cast %add3A_134 : i32 to index
    %get3A_136 = tpu.vector_load %arg6[%get3A_135] {strides = array<i32>} : memref<16384xi32, #tpu.memory_space<vmem>>, vector<16xi32>,
    %mul3A_137 = arith.constant 1000064 : i32
    %mul3A_138 = arith.muli %arg0, %mul3A_137 : i32
    %add3A_139 = vector.broadcast %mul3A_138 : i32 to vector<16xi32>
    %add3A_140 = arith.addi %get3A_136, %add3A_139 : vector<16xi32>
    %swap3A_141 = arith.constant 128 : index
    %swap3A_142 = tpu.vector_load %arg8[%swap3A_141] {strides = array<i32>} : memref<512xi32, #tpu.memory_space<vmem>>, vector<16xi32>,
    tpu.vector_store %arg8[%swap3A_141], %add3A_140 {strides = array<i32>} : memref<512xi32, #tpu.memory_space<vmem>>, vector<16xi32>,
    %add3A_143 = arith.constant 144 : i32
    %add3A_144 = arith.addi %mul3A_54, %add3A_143 : i32
    %get3A_145 = arith.index_cast %add3A_144 : i32 to index
    %get3A_146 = tpu.vector_load %arg6[%get3A_145] {strides = array<i32>} : memref<16384xi32, #tpu.memory_space<vmem>>, vector<16xi32>,
    %mul3A_147 = arith.constant 1000064 : i32
    %mul3A_148 = arith.muli %arg0, %mul3A_147 : i32
    %add3A_149 = vector.broadcast %mul3A_148 : i32 to vector<16xi32>
    %add3A_150 = arith.addi %get3A_146, %add3A_149 : vector<16xi32>
    %swap3A_151 = arith.constant 144 : index
    %swap3A_152 = tpu.vector_load %arg8[%swap3A_151] {strides = array<i32>} : memref<512xi32, #tpu.memory_space<vmem>>, vector<16xi32>,
    tpu.vector_store %arg8[%swap3A_151], %add3A_150 {strides = array<i32>} : memref<512xi32, #tpu.memory_space<vmem>>, vector<16xi32>,
    %add3A_153 = arith.constant 160 : i32
    %add3A_154 = arith.addi %mul3A_54, %add3A_153 : i32
    %get3A_155 = arith.index_cast %add3A_154 : i32 to index
    %get3A_156 = tpu.vector_load %arg6[%get3A_155] {strides = array<i32>} : memref<16384xi32, #tpu.memory_space<vmem>>, vector<16xi32>,
    %mul3A_157 = arith.constant 1000064 : i32
    %mul3A_158 = arith.muli %arg0, %mul3A_157 : i32
    %add3A_159 = vector.broadcast %mul3A_158 : i32 to vector<16xi32>
    %add3A_160 = arith.addi %get3A_156, %add3A_159 : vector<16xi32>
    %swap3A_161 = arith.constant 160 : index
    %swap3A_162 = tpu.vector_load %arg8[%swap3A_161] {strides = array<i32>} : memref<512xi32, #tpu.memory_space<vmem>>, vector<16xi32>,
    tpu.vector_store %arg8[%swap3A_161], %add3A_160 {strides = array<i32>} : memref<512xi32, #tpu.memory_space<vmem>>, vector<16xi32>,
    %add3A_163 = arith.constant 176 : i32
    %add3A_164 = arith.addi %mul3A_54, %add3A_163 : i32
    %get3A_165 = arith.index_cast %add3A_164 : i32 to index
    %get3A_166 = tpu.vector_load %arg6[%get3A_165] {strides = array<i32>} : memref<16384xi32, #tpu.memory_space<vmem>>, vector<16xi32>,
    %mul3A_167 = arith.constant 1000064 : i32
    %mul3A_168 = arith.muli %arg0, %mul3A_167 : i32
    %add3A_169 = vector.broadcast %mul3A_168 : i32 to vector<16xi32>
    %add3A_170 = arith.addi %get3A_166, %add3A_169 : vector<16xi32>
    %swap3A_171 = arith.constant 176 : index
    %swap3A_172 = tpu.vector_load %arg8[%swap3A_171] {strides = array<i32>} : memref<512xi32, #tpu.memory_space<vmem>>, vector<16xi32>,
    tpu.vector_store %arg8[%swap3A_171], %add3A_170 {strides = array<i32>} : memref<512xi32, #tpu.memory_space<vmem>>, vector<16xi32>,
    %add3A_173 = arith.constant 192 : i32
    %add3A_174 = arith.addi %mul3A_54, %add3A_173 : i32
    %get3A_175 = arith.index_cast %add3A_174 : i32 to index
    %get3A_176 = tpu.vector_load %arg6[%get3A_175] {strides = array<i32>} : memref<16384xi32, #tpu.memory_space<vmem>>, vector<16xi32>,
    %mul3A_177 = arith.constant 1000064 : i32
    %mul3A_178 = arith.muli %arg0, %mul3A_177 : i32
    %add3A_179 = vector.broadcast %mul3A_178 : i32 to vector<16xi32>
    %add3A_180 = arith.addi %get3A_176, %add3A_179 : vector<16xi32>
    %swap3A_181 = arith.constant 192 : index
    %swap3A_182 = tpu.vector_load %arg8[%swap3A_181] {strides = array<i32>} : memref<512xi32, #tpu.memory_space<vmem>>, vector<16xi32>,
    tpu.vector_store %arg8[%swap3A_181], %add3A_180 {strides = array<i32>} : memref<512xi32, #tpu.memory_space<vmem>>, vector<16xi32>,
    %add3A_183 = arith.constant 208 : i32
    %add3A_184 = arith.addi %mul3A_54, %add3A_183 : i32
    %get3A_185 = arith.index_cast %add3A_184 : i32 to index
    %get3A_186 = tpu.vector_load %arg6[%get3A_185] {strides = array<i32>} : memref<16384xi32, #tpu.memory_space<vmem>>, vector<16xi32>,
    %mul3A_187 = arith.constant 1000064 : i32
    %mul3A_188 = arith.muli %arg0, %mul3A_187 : i32
    %add3A_189 = vector.broadcast %mul3A_188 : i32 to vector<16xi32>
    %add3A_190 = arith.addi %get3A_186, %add3A_189 : vector<16xi32>
    %swap3A_191 = arith.constant 208 : index
    %swap3A_192 = tpu.vector_load %arg8[%swap3A_191] {strides = array<i32>} : memref<512xi32, #tpu.memory_space<vmem>>, vector<16xi32>,
    tpu.vector_store %arg8[%swap3A_191], %add3A_190 {strides = array<i32>} : memref<512xi32, #tpu.memory_space<vmem>>, vector<16xi32>,
    %add3A_193 = arith.constant 224 : i32
    %add3A_194 = arith.addi %mul3A_54, %add3A_193 : i32
    %get3A_195 = arith.index_cast %add3A_194 : i32 to index
    %get3A_196 = tpu.vector_load %arg6[%get3A_195] {strides = array<i32>} : memref<16384xi32, #tpu.memory_space<vmem>>, vector<16xi32>,
    %mul3A_197 = arith.constant 1000064 : i32
    %mul3A_198 = arith.muli %arg0, %mul3A_197 : i32
    %add3A_199 = vector.broadcast %mul3A_198 : i32 to vector<16xi32>
    %add3A_200 = arith.addi %get3A_196, %add3A_199 : vector<16xi32>
    %swap3A_201 = arith.constant 224 : index
    %swap3A_202 = tpu.vector_load %arg8[%swap3A_201] {strides = array<i32>} : memref<512xi32, #tpu.memory_space<vmem>>, vector<16xi32>,
    tpu.vector_store %arg8[%swap3A_201], %add3A_200 {strides = array<i32>} : memref<512xi32, #tpu.memory_space<vmem>>, vector<16xi32>,
    %add3A_203 = arith.constant 240 : i32
    %add3A_204 = arith.addi %mul3A_54, %add3A_203 : i32
    %get3A_205 = arith.index_cast %add3A_204 : i32 to index
    %get3A_206 = tpu.vector_load %arg6[%get3A_205] {strides = array<i32>} : memref<16384xi32, #tpu.memory_space<vmem>>, vector<16xi32>,
    %mul3A_207 = arith.constant 1000064 : i32
    %mul3A_208 = arith.muli %arg0, %mul3A_207 : i32
    %add3A_209 = vector.broadcast %mul3A_208 : i32 to vector<16xi32>
    %add3A_210 = arith.addi %get3A_206, %add3A_209 : vector<16xi32>
    %swap3A_211 = arith.constant 240 : index
    %swap3A_212 = tpu.vector_load %arg8[%swap3A_211] {strides = array<i32>} : memref<512xi32, #tpu.memory_space<vmem>>, vector<16xi32>,
    tpu.vector_store %arg8[%swap3A_211], %add3A_210 {strides = array<i32>} : memref<512xi32, #tpu.memory_space<vmem>>, vector<16xi32>,
    %add3A_213 = arith.constant 256 : i32
    %add3A_214 = arith.addi %mul3A_54, %add3A_213 : i32
    %get3A_215 = arith.index_cast %add3A_214 : i32 to index
    %get3A_216 = tpu.vector_load %arg6[%get3A_215] {strides = array<i32>} : memref<16384xi32, #tpu.memory_space<vmem>>, vector<16xi32>,
    %mul3A_217 = arith.constant 1000064 : i32
    %mul3A_218 = arith.muli %arg0, %mul3A_217 : i32
    %add3A_219 = vector.broadcast %mul3A_218 : i32 to vector<16xi32>
    %add3A_220 = arith.addi %get3A_216, %add3A_219 : vector<16xi32>
    %swap3A_221 = arith.constant 256 : index
    %swap3A_222 = tpu.vector_load %arg8[%swap3A_221] {strides = array<i32>} : memref<512xi32, #tpu.memory_space<vmem>>, vector<16xi32>,
    tpu.vector_store %arg8[%swap3A_221], %add3A_220 {strides = array<i32>} : memref<512xi32, #tpu.memory_space<vmem>>, vector<16xi32>,
    %add3A_223 = arith.constant 272 : i32
    %add3A_224 = arith.addi %mul3A_54, %add3A_223 : i32
    %get3A_225 = arith.index_cast %add3A_224 : i32 to index
    %get3A_226 = tpu.vector_load %arg6[%get3A_225] {strides = array<i32>} : memref<16384xi32, #tpu.memory_space<vmem>>, vector<16xi32>,
    %mul3A_227 = arith.constant 1000064 : i32
    %mul3A_228 = arith.muli %arg0, %mul3A_227 : i32
    %add3A_229 = vector.broadcast %mul3A_228 : i32 to vector<16xi32>
    %add3A_230 = arith.addi %get3A_226, %add3A_229 : vector<16xi32>
    %swap3A_231 = arith.constant 272 : index
    %swap3A_232 = tpu.vector_load %arg8[%swap3A_231] {strides = array<i32>} : memref<512xi32, #tpu.memory_space<vmem>>, vector<16xi32>,
    tpu.vector_store %arg8[%swap3A_231], %add3A_230 {strides = array<i32>} : memref<512xi32, #tpu.memory_space<vmem>>, vector<16xi32>,
    %add3A_233 = arith.constant 288 : i32
    %add3A_234 = arith.addi %mul3A_54, %add3A_233 : i32
    %get3A_235 = arith.index_cast %add3A_234 : i32 to index
    %get3A_236 = tpu.vector_load %arg6[%get3A_235] {strides = array<i32>} : memref<16384xi32, #tpu.memory_space<vmem>>, vector<16xi32>,
    %mul3A_237 = arith.constant 1000064 : i32
    %mul3A_238 = arith.muli %arg0, %mul3A_237 : i32
    %add3A_239 = vector.broadcast %mul3A_238 : i32 to vector<16xi32>
    %add3A_240 = arith.addi %get3A_236, %add3A_239 : vector<16xi32>
    %swap3A_241 = arith.constant 288 : index
    %swap3A_242 = tpu.vector_load %arg8[%swap3A_241] {strides = array<i32>} : memref<512xi32, #tpu.memory_space<vmem>>, vector<16xi32>,
    tpu.vector_store %arg8[%swap3A_241], %add3A_240 {strides = array<i32>} : memref<512xi32, #tpu.memory_space<vmem>>, vector<16xi32>,
    %add3A_243 = arith.constant 304 : i32
    %add3A_244 = arith.addi %mul3A_54, %add3A_243 : i32
    %get3A_245 = arith.index_cast %add3A_244 : i32 to index
    %get3A_246 = tpu.vector_load %arg6[%get3A_245] {strides = array<i32>} : memref<16384xi32, #tpu.memory_space<vmem>>, vector<16xi32>,
    %mul3A_247 = arith.constant 1000064 : i32
    %mul3A_248 = arith.muli %arg0, %mul3A_247 : i32
    %add3A_249 = vector.broadcast %mul3A_248 : i32 to vector<16xi32>
    %add3A_250 = arith.addi %get3A_246, %add3A_249 : vector<16xi32>
    %swap3A_251 = arith.constant 304 : index
    %swap3A_252 = tpu.vector_load %arg8[%swap3A_251] {strides = array<i32>} : memref<512xi32, #tpu.memory_space<vmem>>, vector<16xi32>,
    tpu.vector_store %arg8[%swap3A_251], %add3A_250 {strides = array<i32>} : memref<512xi32, #tpu.memory_space<vmem>>, vector<16xi32>,
    %add3A_253 = arith.constant 320 : i32
    %add3A_254 = arith.addi %mul3A_54, %add3A_253 : i32
    %get3A_255 = arith.index_cast %add3A_254 : i32 to index
    %get3A_256 = tpu.vector_load %arg6[%get3A_255] {strides = array<i32>} : memref<16384xi32, #tpu.memory_space<vmem>>, vector<16xi32>,
    %mul3A_257 = arith.constant 1000064 : i32
    %mul3A_258 = arith.muli %arg0, %mul3A_257 : i32
    %add3A_259 = vector.broadcast %mul3A_258 : i32 to vector<16xi32>
    %add3A_260 = arith.addi %get3A_256, %add3A_259 : vector<16xi32>
    %swap3A_261 = arith.constant 320 : index
    %swap3A_262 = tpu.vector_load %arg8[%swap3A_261] {strides = array<i32>} : memref<512xi32, #tpu.memory_space<vmem>>, vector<16xi32>,
    tpu.vector_store %arg8[%swap3A_261], %add3A_260 {strides = array<i32>} : memref<512xi32, #tpu.memory_space<vmem>>, vector<16xi32>,
    %add3A_263 = arith.constant 336 : i32
    %add3A_264 = arith.addi %mul3A_54, %add3A_263 : i32
    %get3A_265 = arith.index_cast %add3A_264 : i32 to index
    %get3A_266 = tpu.vector_load %arg6[%get3A_265] {strides = array<i32>} : memref<16384xi32, #tpu.memory_space<vmem>>, vector<16xi32>,
    %mul3A_267 = arith.constant 1000064 : i32
    %mul3A_268 = arith.muli %arg0, %mul3A_267 : i32
    %add3A_269 = vector.broadcast %mul3A_268 : i32 to vector<16xi32>
    %add3A_270 = arith.addi %get3A_266, %add3A_269 : vector<16xi32>
    %swap3A_271 = arith.constant 336 : index
    %swap3A_272 = tpu.vector_load %arg8[%swap3A_271] {strides = array<i32>} : memref<512xi32, #tpu.memory_space<vmem>>, vector<16xi32>,
    tpu.vector_store %arg8[%swap3A_271], %add3A_270 {strides = array<i32>} : memref<512xi32, #tpu.memory_space<vmem>>, vector<16xi32>,
    %add3A_273 = arith.constant 352 : i32
    %add3A_274 = arith.addi %mul3A_54, %add3A_273 : i32
    %get3A_275 = arith.index_cast %add3A_274 : i32 to index
    %get3A_276 = tpu.vector_load %arg6[%get3A_275] {strides = array<i32>} : memref<16384xi32, #tpu.memory_space<vmem>>, vector<16xi32>,
    %mul3A_277 = arith.constant 1000064 : i32
    %mul3A_278 = arith.muli %arg0, %mul3A_277 : i32
    %add3A_279 = vector.broadcast %mul3A_278 : i32 to vector<16xi32>
    %add3A_280 = arith.addi %get3A_276, %add3A_279 : vector<16xi32>
    %swap3A_281 = arith.constant 352 : index
    %swap3A_282 = tpu.vector_load %arg8[%swap3A_281] {strides = array<i32>} : memref<512xi32, #tpu.memory_space<vmem>>, vector<16xi32>,
    tpu.vector_store %arg8[%swap3A_281], %add3A_280 {strides = array<i32>} : memref<512xi32, #tpu.memory_space<vmem>>, vector<16xi32>,
    %add3A_283 = arith.constant 368 : i32
    %add3A_284 = arith.addi %mul3A_54, %add3A_283 : i32
    %get3A_285 = arith.index_cast %add3A_284 : i32 to index
    %get3A_286 = tpu.vector_load %arg6[%get3A_285] {strides = array<i32>} : memref<16384xi32, #tpu.memory_space<vmem>>, vector<16xi32>,
    %mul3A_287 = arith.constant 1000064 : i32
    %mul3A_288 = arith.muli %arg0, %mul3A_287 : i32
    %add3A_289 = vector.broadcast %mul3A_288 : i32 to vector<16xi32>
    %add3A_290 = arith.addi %get3A_286, %add3A_289 : vector<16xi32>
    %swap3A_291 = arith.constant 368 : index
    %swap3A_292 = tpu.vector_load %arg8[%swap3A_291] {strides = array<i32>} : memref<512xi32, #tpu.memory_space<vmem>>, vector<16xi32>,
    tpu.vector_store %arg8[%swap3A_291], %add3A_290 {strides = array<i32>} : memref<512xi32, #tpu.memory_space<vmem>>, vector<16xi32>,
    %add3A_293 = arith.constant 384 : i32
    %add3A_294 = arith.addi %mul3A_54, %add3A_293 : i32
    %get3A_295 = arith.index_cast %add3A_294 : i32 to index
    %get3A_296 = tpu.vector_load %arg6[%get3A_295] {strides = array<i32>} : memref<16384xi32, #tpu.memory_space<vmem>>, vector<16xi32>,
    %mul3A_297 = arith.constant 1000064 : i32
    %mul3A_298 = arith.muli %arg0, %mul3A_297 : i32
    %add3A_299 = vector.broadcast %mul3A_298 : i32 to vector<16xi32>
    %add3A_300 = arith.addi %get3A_296, %add3A_299 : vector<16xi32>
    %swap3A_301 = arith.constant 384 : index
    %swap3A_302 = tpu.vector_load %arg8[%swap3A_301] {strides = array<i32>} : memref<512xi32, #tpu.memory_space<vmem>>, vector<16xi32>,
    tpu.vector_store %arg8[%swap3A_301], %add3A_300 {strides = array<i32>} : memref<512xi32, #tpu.memory_space<vmem>>, vector<16xi32>,
    %add3A_303 = arith.constant 400 : i32
    %add3A_304 = arith.addi %mul3A_54, %add3A_303 : i32
    %get3A_305 = arith.index_cast %add3A_304 : i32 to index
    %get3A_306 = tpu.vector_load %arg6[%get3A_305] {strides = array<i32>} : memref<16384xi32, #tpu.memory_space<vmem>>, vector<16xi32>,
    %mul3A_307 = arith.constant 1000064 : i32
    %mul3A_308 = arith.muli %arg0, %mul3A_307 : i32
    %add3A_309 = vector.broadcast %mul3A_308 : i32 to vector<16xi32>
    %add3A_310 = arith.addi %get3A_306, %add3A_309 : vector<16xi32>
    %swap3A_311 = arith.constant 400 : index
    %swap3A_312 = tpu.vector_load %arg8[%swap3A_311] {strides = array<i32>} : memref<512xi32, #tpu.memory_space<vmem>>, vector<16xi32>,
    tpu.vector_store %arg8[%swap3A_311], %add3A_310 {strides = array<i32>} : memref<512xi32, #tpu.memory_space<vmem>>, vector<16xi32>,
    %add3A_313 = arith.constant 416 : i32
    %add3A_314 = arith.addi %mul3A_54, %add3A_313 : i32
    %get3A_315 = arith.index_cast %add3A_314 : i32 to index
    %get3A_316 = tpu.vector_load %arg6[%get3A_315] {strides = array<i32>} : memref<16384xi32, #tpu.memory_space<vmem>>, vector<16xi32>,
    %mul3A_317 = arith.constant 1000064 : i32
    %mul3A_318 = arith.muli %arg0, %mul3A_317 : i32
    %add3A_319 = vector.broadcast %mul3A_318 : i32 to vector<16xi32>
    %add3A_320 = arith.addi %get3A_316, %add3A_319 : vector<16xi32>
    %swap3A_321 = arith.constant 416 : index
    %swap3A_322 = tpu.vector_load %arg8[%swap3A_321] {strides = array<i32>} : memref<512xi32, #tpu.memory_space<vmem>>, vector<16xi32>,
    tpu.vector_store %arg8[%swap3A_321], %add3A_320 {strides = array<i32>} : memref<512xi32, #tpu.memory_space<vmem>>, vector<16xi32>,
    %add3A_323 = arith.constant 432 : i32
    %add3A_324 = arith.addi %mul3A_54, %add3A_323 : i32
    %get3A_325 = arith.index_cast %add3A_324 : i32 to index
    %get3A_326 = tpu.vector_load %arg6[%get3A_325] {strides = array<i32>} : memref<16384xi32, #tpu.memory_space<vmem>>, vector<16xi32>,
    %mul3A_327 = arith.constant 1000064 : i32
    %mul3A_328 = arith.muli %arg0, %mul3A_327 : i32
    %add3A_329 = vector.broadcast %mul3A_328 : i32 to vector<16xi32>
    %add3A_330 = arith.addi %get3A_326, %add3A_329 : vector<16xi32>
    %swap3A_331 = arith.constant 432 : index
    %swap3A_332 = tpu.vector_load %arg8[%swap3A_331] {strides = array<i32>} : memref<512xi32, #tpu.memory_space<vmem>>, vector<16xi32>,
    tpu.vector_store %arg8[%swap3A_331], %add3A_330 {strides = array<i32>} : memref<512xi32, #tpu.memory_space<vmem>>, vector<16xi32>,
    %add3A_333 = arith.constant 448 : i32
    %add3A_334 = arith.addi %mul3A_54, %add3A_333 : i32
    %get3A_335 = arith.index_cast %add3A_334 : i32 to index
    %get3A_336 = tpu.vector_load %arg6[%get3A_335] {strides = array<i32>} : memref<16384xi32, #tpu.memory_space<vmem>>, vector<16xi32>,
    %mul3A_337 = arith.constant 1000064 : i32
    %mul3A_338 = arith.muli %arg0, %mul3A_337 : i32
    %add3A_339 = vector.broadcast %mul3A_338 : i32 to vector<16xi32>
    %add3A_340 = arith.addi %get3A_336, %add3A_339 : vector<16xi32>
    %swap3A_341 = arith.constant 448 : index
    %swap3A_342 = tpu.vector_load %arg8[%swap3A_341] {strides = array<i32>} : memref<512xi32, #tpu.memory_space<vmem>>, vector<16xi32>,
    tpu.vector_store %arg8[%swap3A_341], %add3A_340 {strides = array<i32>} : memref<512xi32, #tpu.memory_space<vmem>>, vector<16xi32>,
    %add3A_343 = arith.constant 464 : i32
    %add3A_344 = arith.addi %mul3A_54, %add3A_343 : i32
    %get3A_345 = arith.index_cast %add3A_344 : i32 to index
    %get3A_346 = tpu.vector_load %arg6[%get3A_345] {strides = array<i32>} : memref<16384xi32, #tpu.memory_space<vmem>>, vector<16xi32>,
    %mul3A_347 = arith.constant 1000064 : i32
    %mul3A_348 = arith.muli %arg0, %mul3A_347 : i32
    %add3A_349 = vector.broadcast %mul3A_348 : i32 to vector<16xi32>
    %add3A_350 = arith.addi %get3A_346, %add3A_349 : vector<16xi32>
    %swap3A_351 = arith.constant 464 : index
    %swap3A_352 = tpu.vector_load %arg8[%swap3A_351] {strides = array<i32>} : memref<512xi32, #tpu.memory_space<vmem>>, vector<16xi32>,
    tpu.vector_store %arg8[%swap3A_351], %add3A_350 {strides = array<i32>} : memref<512xi32, #tpu.memory_space<vmem>>, vector<16xi32>,
    %add3A_353 = arith.constant 480 : i32
    %add3A_354 = arith.addi %mul3A_54, %add3A_353 : i32
    %get3A_355 = arith.index_cast %add3A_354 : i32 to index
    %get3A_356 = tpu.vector_load %arg6[%get3A_355] {strides = array<i32>} : memref<16384xi32, #tpu.memory_space<vmem>>, vector<16xi32>,
    %mul3A_357 = arith.constant 1000064 : i32
    %mul3A_358 = arith.muli %arg0, %mul3A_357 : i32
    %add3A_359 = vector.broadcast %mul3A_358 : i32 to vector<16xi32>
    %add3A_360 = arith.addi %get3A_356, %add3A_359 : vector<16xi32>
    %swap3A_361 = arith.constant 480 : index
    %swap3A_362 = tpu.vector_load %arg8[%swap3A_361] {strides = array<i32>} : memref<512xi32, #tpu.memory_space<vmem>>, vector<16xi32>,
    tpu.vector_store %arg8[%swap3A_361], %add3A_360 {strides = array<i32>} : memref<512xi32, #tpu.memory_space<vmem>>, vector<16xi32>,
    %add3A_363 = arith.constant 496 : i32
    %add3A_364 = arith.addi %mul3A_54, %add3A_363 : i32
    %get3A_365 = arith.index_cast %add3A_364 : i32 to index
    %get3A_366 = tpu.vector_load %arg6[%get3A_365] {strides = array<i32>} : memref<16384xi32, #tpu.memory_space<vmem>>, vector<16xi32>,
    %mul3A_367 = arith.constant 1000064 : i32
    %mul3A_368 = arith.muli %arg0, %mul3A_367 : i32
    %add3A_369 = vector.broadcast %mul3A_368 : i32 to vector<16xi32>
    %add3A_370 = arith.addi %get3A_366, %add3A_369 : vector<16xi32>
    %swap3A_371 = arith.constant 496 : index
    %swap3A_372 = tpu.vector_load %arg8[%swap3A_371] {strides = array<i32>} : memref<512xi32, #tpu.memory_space<vmem>>, vector<16xi32>,
    tpu.vector_store %arg8[%swap3A_371], %add3A_370 {strides = array<i32>} : memref<512xi32, #tpu.memory_space<vmem>>, vector<16xi32>,
    %dma_wait3A_373 = arith.constant 0 : i32
    %dma_wait3A_374 = tpu.memref_slice %arg7[%dma_wait3A_373] : memref<62512xi32, #tpu.memory_space<vmem>> -> memref<62504xi32, #tpu.memory_space<vmem>>
    %dma_wait3A_375 = tpu.memref_slice %arg5[%multiple_of3A] : memref<2000128xi32, #tpu.memory_space<hbm>> -> memref<62504xi32, #tpu.memory_space<hbm>>
    %dma_wait3A_376 = tpu.memref_slice %arg5[%multiple_of3A] : memref<2000128xi32, #tpu.memory_space<hbm>> -> memref<62504xi32, #tpu.memory_space<hbm>>
    %dma_wait3A_377 = arith.constant 0 : i32
    %dma_wait3A_378 = tpu.memref_slice %arg7[%dma_wait3A_377] : memref<62512xi32, #tpu.memory_space<vmem>> -> memref<62504xi32, #tpu.memory_space<vmem>>
    tpu.wait_dma2 semaphore(%arg13 : memref<!tpu.dma_semaphore, #tpu.memory_space<semaphore_mem>>) src(%dma_wait3A_378 : memref<62504xi32, #tpu.memory_space<vmem>>) dst(%dma_wait3A_376 : memref<62504xi32, #tpu.memory_space<hbm>>)
    %barrier3A = arith.constant 0 : index
    tpu.barrier barrier_id(%barrier3A)
    %dma_start3A_379 = arith.constant 0 : i32
    %dma_start3A_380 = tpu.memref_slice %arg9[%dma_start3A_379] : memref<512xi32, #tpu.memory_space<vmem>> -> memref<128xi32, #tpu.memory_space<vmem>>
    %dma_start3A_381 = arith.constant 0 : i32
    %dma_start3A_382 = tpu.memref_slice %arg8[%dma_start3A_381] : memref<512xi32, #tpu.memory_space<vmem>> -> memref<128xi32, #tpu.memory_space<vmem>>
    %dma_start3A_383 = arith.constant 0 : i32
    %dma_start3A_384 = tpu.memref_slice %arg5[%dma_start3A_383] : memref<2000128xi32, #tpu.memory_space<hbm>> -> memref<2000128xi32, #tpu.memory_space<hbm>>
    tpu.enqueue_indirect_dma source(%dma_start3A_384 : memref<2000128xi32, #tpu.memory_space<hbm>>) target(%dma_start3A_380 : memref<128xi32, #tpu.memory_space<vmem>>) offsets(%dma_start3A_382 : memref<128xi32, #tpu.memory_space<vmem>>) semaphore(%arg11 : memref<!tpu.dma_semaphore, #tpu.memory_space<semaphore_mem>>)
    %dma_start3A_385 = arith.constant 128 : i32
    %dma_start3A_386 = tpu.memref_slice %arg9[%dma_start3A_385] : memref<512xi32, #tpu.memory_space<vmem>> -> memref<128xi32, #tpu.memory_space<vmem>>
    %dma_start3A_387 = arith.constant 128 : i32
    %dma_start3A_388 = tpu.memref_slice %arg8[%dma_start3A_387] : memref<512xi32, #tpu.memory_space<vmem>> -> memref<128xi32, #tpu.memory_space<vmem>>
    %dma_start3A_389 = arith.constant 0 : i32
    %dma_start3A_390 = tpu.memref_slice %arg5[%dma_start3A_389] : memref<2000128xi32, #tpu.memory_space<hbm>> -> memref<2000128xi32, #tpu.memory_space<hbm>>
    tpu.enqueue_indirect_dma source(%dma_start3A_390 : memref<2000128xi32, #tpu.memory_space<hbm>>) target(%dma_start3A_386 : memref<128xi32, #tpu.memory_space<vmem>>) offsets(%dma_start3A_388 : memref<128xi32, #tpu.memory_space<vmem>>) semaphore(%arg11 : memref<!tpu.dma_semaphore, #tpu.memory_space<semaphore_mem>>)
    %dma_start3A_391 = arith.constant 256 : i32
    %dma_start3A_392 = tpu.memref_slice %arg9[%dma_start3A_391] : memref<512xi32, #tpu.memory_space<vmem>> -> memref<128xi32, #tpu.memory_space<vmem>>
    %dma_start3A_393 = arith.constant 256 : i32
    %dma_start3A_394 = tpu.memref_slice %arg8[%dma_start3A_393] : memref<512xi32, #tpu.memory_space<vmem>> -> memref<128xi32, #tpu.memory_space<vmem>>
    %dma_start3A_395 = arith.constant 0 : i32
    %dma_start3A_396 = tpu.memref_slice %arg5[%dma_start3A_395] : memref<2000128xi32, #tpu.memory_space<hbm>> -> memref<2000128xi32, #tpu.memory_space<hbm>>
    tpu.enqueue_indirect_dma source(%dma_start3A_396 : memref<2000128xi32, #tpu.memory_space<hbm>>) target(%dma_start3A_392 : memref<128xi32, #tpu.memory_space<vmem>>) offsets(%dma_start3A_394 : memref<128xi32, #tpu.memory_space<vmem>>) semaphore(%arg11 : memref<!tpu.dma_semaphore, #tpu.memory_space<semaphore_mem>>)
    %dma_start3A_397 = arith.constant 384 : i32
    %dma_start3A_398 = tpu.memref_slice %arg9[%dma_start3A_397] : memref<512xi32, #tpu.memory_space<vmem>> -> memref<128xi32, #tpu.memory_space<vmem>>
    %dma_start3A_399 = arith.constant 384 : i32
    %dma_start3A_400 = tpu.memref_slice %arg8[%dma_start3A_399] : memref<512xi32, #tpu.memory_space<vmem>> -> memref<128xi32, #tpu.memory_space<vmem>>
    %dma_start3A_401 = arith.constant 0 : i32
    %dma_start3A_402 = tpu.memref_slice %arg5[%dma_start3A_401] : memref<2000128xi32, #tpu.memory_space<hbm>> -> memref<2000128xi32, #tpu.memory_space<hbm>>
    tpu.enqueue_indirect_dma source(%dma_start3A_402 : memref<2000128xi32, #tpu.memory_space<hbm>>) target(%dma_start3A_398 : memref<128xi32, #tpu.memory_space<vmem>>) offsets(%dma_start3A_400 : memref<128xi32, #tpu.memory_space<vmem>>) semaphore(%arg11 : memref<!tpu.dma_semaphore, #tpu.memory_space<semaphore_mem>>)
    %dma_wait3A_403 = arith.constant 0 : i32
    %dma_wait3A_404 = tpu.memref_slice %arg9[%dma_wait3A_403] : memref<512xi32, #tpu.memory_space<vmem>> -> memref<128xi32, #tpu.memory_space<vmem>>
    %dma_wait3A_405 = arith.constant 0 : i32
    %dma_wait3A_406 = tpu.memref_slice %arg8[%dma_wait3A_405] : memref<512xi32, #tpu.memory_space<vmem>> -> memref<128xi32, #tpu.memory_space<vmem>>
    %dma_wait3A_407 = arith.constant 0 : i32
    %dma_wait3A_408 = tpu.memref_slice %arg5[%dma_wait3A_407] : memref<2000128xi32, #tpu.memory_space<hbm>> -> memref<2000128xi32, #tpu.memory_space<hbm>>
    tpu.wait_indirect_dma semaphore(%arg11 : memref<!tpu.dma_semaphore, #tpu.memory_space<semaphore_mem>>) src(%dma_wait3A_408 : memref<2000128xi32, #tpu.memory_space<hbm>>) dst(%dma_wait3A_404 : memref<128xi32, #tpu.memory_space<vmem>>)
    %dma_wait3A_409 = arith.constant 128 : i32
    %dma_wait3A_410 = tpu.memref_slice %arg9[%dma_wait3A_409] : memref<512xi32, #tpu.memory_space<vmem>> -> memref<128xi32, #tpu.memory_space<vmem>>
    %dma_wait3A_411 = arith.constant 128 : i32
    %dma_wait3A_412 = tpu.memref_slice %arg8[%dma_wait3A_411] : memref<512xi32, #tpu.memory_space<vmem>> -> memref<128xi32, #tpu.memory_space<vmem>>
    %dma_wait3A_413 = arith.constant 0 : i32
    %dma_wait3A_414 = tpu.memref_slice %arg5[%dma_wait3A_413] : memref<2000128xi32, #tpu.memory_space<hbm>> -> memref<2000128xi32, #tpu.memory_space<hbm>>
    tpu.wait_indirect_dma semaphore(%arg11 : memref<!tpu.dma_semaphore, #tpu.memory_space<semaphore_mem>>) src(%dma_wait3A_414 : memref<2000128xi32, #tpu.memory_space<hbm>>) dst(%dma_wait3A_410 : memref<128xi32, #tpu.memory_space<vmem>>)
    %dma_wait3A_415 = arith.constant 256 : i32
    %dma_wait3A_416 = tpu.memref_slice %arg9[%dma_wait3A_415] : memref<512xi32, #tpu.memory_space<vmem>> -> memref<128xi32, #tpu.memory_space<vmem>>
    %dma_wait3A_417 = arith.constant 256 : i32
    %dma_wait3A_418 = tpu.memref_slice %arg8[%dma_wait3A_417] : memref<512xi32, #tpu.memory_space<vmem>> -> memref<128xi32, #tpu.memory_space<vmem>>
    %dma_wait3A_419 = arith.constant 0 : i32
    %dma_wait3A_420 = tpu.memref_slice %arg5[%dma_wait3A_419] : memref<2000128xi32, #tpu.memory_space<hbm>> -> memref<2000128xi32, #tpu.memory_space<hbm>>
    tpu.wait_indirect_dma semaphore(%arg11 : memref<!tpu.dma_semaphore, #tpu.memory_space<semaphore_mem>>) src(%dma_wait3A_420 : memref<2000128xi32, #tpu.memory_space<hbm>>) dst(%dma_wait3A_416 : memref<128xi32, #tpu.memory_space<vmem>>)
    %dma_wait3A_421 = arith.constant 384 : i32
    %dma_wait3A_422 = tpu.memref_slice %arg9[%dma_wait3A_421] : memref<512xi32, #tpu.memory_space<vmem>> -> memref<128xi32, #tpu.memory_space<vmem>>
    %dma_wait3A_423 = arith.constant 384 : i32
    %dma_wait3A_424 = tpu.memref_slice %arg8[%dma_wait3A_423] : memref<512xi32, #tpu.memory_space<vmem>> -> memref<128xi32, #tpu.memory_space<vmem>>
    %dma_wait3A_425 = arith.constant 0 : i32
    %dma_wait3A_426 = tpu.memref_slice %arg5[%dma_wait3A_425] : memref<2000128xi32, #tpu.memory_space<hbm>> -> memref<2000128xi32, #tpu.memory_space<hbm>>
    tpu.wait_indirect_dma semaphore(%arg11 : memref<!tpu.dma_semaphore, #tpu.memory_space<semaphore_mem>>) src(%dma_wait3A_426 : memref<2000128xi32, #tpu.memory_space<hbm>>) dst(%dma_wait3A_422 : memref<128xi32, #tpu.memory_space<vmem>>)
    %dma_start3A_427 = arith.constant 0 : i32
    %dma_start3A_428 = arith.constant 0 : i32
    %dma_start3A_429 = arith.constant 0 : i32
    %dma_start3A_430 = tpu.memref_slice %arg10[%dma_start3A_427, %dma_start3A_428, %dma_start3A_429] : memref<3x128x128xf32, #tpu.memory_space<vmem>> -> memref<1x128x128xf32, #tpu.memory_space<vmem>>
    %dma_start3A_431 = tpu.memref_squeeze %dma_start3A_430 : memref<1x128x128xf32, #tpu.memory_space<vmem>> -> memref<128x128xf32, #tpu.memory_space<vmem>>
    %dma_start3A_432 = arith.constant 0 : i32
    %dma_start3A_433 = tpu.memref_slice %arg9[%dma_start3A_432] : memref<512xi32, #tpu.memory_space<vmem>> -> memref<128xi32, #tpu.memory_space<vmem>>
    %dma_start3A_434 = arith.constant 0 : i32
    %dma_start3A_435 = arith.constant 0 : i32
    %dma_start3A_436 = tpu.memref_slice %arg3[%dma_start3A_434, %dma_start3A_435] : memref<16384x128xf32, #tpu.memory_space<hbm>> -> memref<16384x128xf32, #tpu.memory_space<hbm>>
    tpu.enqueue_indirect_dma source(%dma_start3A_436 : memref<16384x128xf32, #tpu.memory_space<hbm>>) target(%dma_start3A_431 : memref<128x128xf32, #tpu.memory_space<vmem>>) offsets(%dma_start3A_433 : memref<128xi32, #tpu.memory_space<vmem>>) semaphore(%arg12 : memref<!tpu.dma_semaphore, #tpu.memory_space<semaphore_mem>>)
    %dma_start3A_437 = arith.constant 1 : i32
    %dma_start3A_438 = arith.constant 0 : i32
    %dma_start3A_439 = arith.constant 0 : i32
    %dma_start3A_440 = tpu.memref_slice %arg10[%dma_start3A_437, %dma_start3A_438, %dma_start3A_439] : memref<3x128x128xf32, #tpu.memory_space<vmem>> -> memref<1x128x128xf32, #tpu.memory_space<vmem>>
    %dma_start3A_441 = tpu.memref_squeeze %dma_start3A_440 : memref<1x128x128xf32, #tpu.memory_space<vmem>> -> memref<128x128xf32, #tpu.memory_space<vmem>>
    %dma_start3A_442 = arith.constant 128 : i32
    %dma_start3A_443 = tpu.memref_slice %arg9[%dma_start3A_442] : memref<512xi32, #tpu.memory_space<vmem>> -> memref<128xi32, #tpu.memory_space<vmem>>
    %dma_start3A_444 = arith.constant 0 : i32
    %dma_start3A_445 = arith.constant 0 : i32
    %dma_start3A_446 = tpu.memref_slice %arg3[%dma_start3A_444, %dma_start3A_445] : memref<16384x128xf32, #tpu.memory_space<hbm>> -> memref<16384x128xf32, #tpu.memory_space<hbm>>
    tpu.enqueue_indirect_dma source(%dma_start3A_446 : memref<16384x128xf32, #tpu.memory_space<hbm>>) target(%dma_start3A_441 : memref<128x128xf32, #tpu.memory_space<vmem>>) offsets(%dma_start3A_443 : memref<128xi32, #tpu.memory_space<vmem>>) semaphore(%arg12 : memref<!tpu.dma_semaphore, #tpu.memory_space<semaphore_mem>>)
    %dma_start3A_447 = arith.constant 2 : i32
    %dma_start3A_448 = arith.constant 0 : i32
    %dma_start3A_449 = arith.constant 0 : i32
    %dma_start3A_450 = tpu.memref_slice %arg10[%dma_start3A_447, %dma_start3A_448, %dma_start3A_449] : memref<3x128x128xf32, #tpu.memory_space<vmem>> -> memref<1x128x128xf32, #tpu.memory_space<vmem>>
    %dma_start3A_451 = tpu.memref_squeeze %dma_start3A_450 : memref<1x128x128xf32, #tpu.memory_space<vmem>> -> memref<128x128xf32, #tpu.memory_space<vmem>>
    %dma_start3A_452 = arith.constant 256 : i32
    %dma_start3A_453 = tpu.memref_slice %arg9[%dma_start3A_452] : memref<512xi32, #tpu.memory_space<vmem>> -> memref<128xi32, #tpu.memory_space<vmem>>
    %dma_start3A_454 = arith.constant 0 : i32
    %dma_start3A_455 = arith.constant 0 : i32
    %dma_start3A_456 = tpu.memref_slice %arg3[%dma_start3A_454, %dma_start3A_455] : memref<16384x128xf32, #tpu.memory_space<hbm>> -> memref<16384x128xf32, #tpu.memory_space<hbm>>
    tpu.enqueue_indirect_dma source(%dma_start3A_456 : memref<16384x128xf32, #tpu.memory_space<hbm>>) target(%dma_start3A_451 : memref<128x128xf32, #tpu.memory_space<vmem>>) offsets(%dma_start3A_453 : memref<128xi32, #tpu.memory_space<vmem>>) semaphore(%arg12 : memref<!tpu.dma_semaphore, #tpu.memory_space<semaphore_mem>>)
    %dma_wait3A_457 = arith.constant 0 : i32
    %dma_wait3A_458 = arith.constant 0 : i32
    %dma_wait3A_459 = arith.constant 0 : i32
    %dma_wait3A_460 = tpu.memref_slice %arg10[%dma_wait3A_457, %dma_wait3A_458, %dma_wait3A_459] : memref<3x128x128xf32, #tpu.memory_space<vmem>> -> memref<1x128x128xf32, #tpu.memory_space<vmem>>
    %dma_wait3A_461 = tpu.memref_squeeze %dma_wait3A_460 : memref<1x128x128xf32, #tpu.memory_space<vmem>> -> memref<128x128xf32, #tpu.memory_space<vmem>>
    %dma_wait3A_462 = arith.constant 0 : i32
    %dma_wait3A_463 = tpu.memref_slice %arg9[%dma_wait3A_462] : memref<512xi32, #tpu.memory_space<vmem>> -> memref<128xi32, #tpu.memory_space<vmem>>
    %dma_wait3A_464 = arith.constant 0 : i32
    %dma_wait3A_465 = arith.constant 0 : i32
    %dma_wait3A_466 = tpu.memref_slice %arg3[%dma_wait3A_464, %dma_wait3A_465] : memref<16384x128xf32, #tpu.memory_space<hbm>> -> memref<16384x128xf32, #tpu.memory_space<hbm>>
    tpu.wait_indirect_dma semaphore(%arg12 : memref<!tpu.dma_semaphore, #tpu.memory_space<semaphore_mem>>) src(%dma_wait3A_466 : memref<16384x128xf32, #tpu.memory_space<hbm>>) dst(%dma_wait3A_461 : memref<128x128xf32, #tpu.memory_space<vmem>>)
    %add3A_467 = arith.constant 0 : i32
    %add3A_468 = arith.addi %mul3A_54, %add3A_467 : i32
    %dma_start3A_469 = arith.constant 0 : i32
    %dma_start3A_470 = arith.constant 0 : i32
    %dma_start3A_471 = arith.constant 0 : i32
    %dma_start3A_472 = tpu.memref_slice %arg10[%dma_start3A_469, %dma_start3A_470, %dma_start3A_471] : memref<3x128x128xf32, #tpu.memory_space<vmem>> -> memref<1x128x128xf32, #tpu.memory_space<vmem>>
    %dma_start3A_473 = tpu.memref_squeeze %dma_start3A_472 : memref<1x128x128xf32, #tpu.memory_space<vmem>> -> memref<128x128xf32, #tpu.memory_space<vmem>>
    %dma_start3A_474 = arith.constant 0 : i32
    %dma_start3A_475 = tpu.memref_slice %arg4[%add3A_468, %dma_start3A_474] : memref<16384x128xf32, #tpu.memory_space<hbm>> -> memref<128x128xf32, #tpu.memory_space<hbm>>
    %dma_start3A_476 = arith.constant 0 : i32
    %dma_start3A_477 = tpu.memref_slice %arg4[%add3A_468, %dma_start3A_476] : memref<16384x128xf32, #tpu.memory_space<hbm>> -> memref<128x128xf32, #tpu.memory_space<hbm>>
    %dma_start3A_478 = arith.constant 0 : i32
    %dma_start3A_479 = arith.constant 0 : i32
    %dma_start3A_480 = tpu.memref_slice %arg10[%dma_start3A_469, %dma_start3A_478, %dma_start3A_479] : memref<3x128x128xf32, #tpu.memory_space<vmem>> -> memref<1x128x128xf32, #tpu.memory_space<vmem>>
    %dma_start3A_481 = tpu.memref_squeeze %dma_start3A_480 : memref<1x128x128xf32, #tpu.memory_space<vmem>> -> memref<128x128xf32, #tpu.memory_space<vmem>>
    tpu.enqueue_dma source(%dma_start3A_481 : memref<128x128xf32, #tpu.memory_space<vmem>>) target(%dma_start3A_477 : memref<128x128xf32, #tpu.memory_space<hbm>>) target_semaphore(%arg13 : memref<!tpu.dma_semaphore, #tpu.memory_space<semaphore_mem>>)
    %dma_wait3A_482 = arith.constant 0 : i32
    %dma_wait3A_483 = arith.constant 0 : i32
    %dma_wait3A_484 = arith.constant 0 : i32
    %dma_wait3A_485 = tpu.memref_slice %arg10[%dma_wait3A_482, %dma_wait3A_483, %dma_wait3A_484] : memref<3x128x128xf32, #tpu.memory_space<vmem>> -> memref<1x128x128xf32, #tpu.memory_space<vmem>>
    %dma_wait3A_486 = tpu.memref_squeeze %dma_wait3A_485 : memref<1x128x128xf32, #tpu.memory_space<vmem>> -> memref<128x128xf32, #tpu.memory_space<vmem>>
    %dma_wait3A_487 = arith.constant 0 : i32
    %dma_wait3A_488 = tpu.memref_slice %arg4[%add3A_468, %dma_wait3A_487] : memref<16384x128xf32, #tpu.memory_space<hbm>> -> memref<128x128xf32, #tpu.memory_space<hbm>>
    %dma_wait3A_489 = arith.constant 0 : i32
    %dma_wait3A_490 = tpu.memref_slice %arg4[%add3A_468, %dma_wait3A_489] : memref<16384x128xf32, #tpu.memory_space<hbm>> -> memref<128x128xf32, #tpu.memory_space<hbm>>
    %dma_wait3A_491 = arith.constant 0 : i32
    %dma_wait3A_492 = arith.constant 0 : i32
    %dma_wait3A_493 = tpu.memref_slice %arg10[%dma_wait3A_482, %dma_wait3A_491, %dma_wait3A_492] : memref<3x128x128xf32, #tpu.memory_space<vmem>> -> memref<1x128x128xf32, #tpu.memory_space<vmem>>
    %dma_wait3A_494 = tpu.memref_squeeze %dma_wait3A_493 : memref<1x128x128xf32, #tpu.memory_space<vmem>> -> memref<128x128xf32, #tpu.memory_space<vmem>>
    tpu.wait_dma2 semaphore(%arg13 : memref<!tpu.dma_semaphore, #tpu.memory_space<semaphore_mem>>) src(%dma_wait3A_494 : memref<128x128xf32, #tpu.memory_space<vmem>>) dst(%dma_wait3A_490 : memref<128x128xf32, #tpu.memory_space<hbm>>)
    %dma_start3A_495 = arith.constant 0 : i32
    %dma_start3A_496 = arith.constant 0 : i32
    %dma_start3A_497 = arith.constant 0 : i32
    %dma_start3A_498 = tpu.memref_slice %arg10[%dma_start3A_495, %dma_start3A_496, %dma_start3A_497] : memref<3x128x128xf32, #tpu.memory_space<vmem>> -> memref<1x128x128xf32, #tpu.memory_space<vmem>>
    %dma_start3A_499 = tpu.memref_squeeze %dma_start3A_498 : memref<1x128x128xf32, #tpu.memory_space<vmem>> -> memref<128x128xf32, #tpu.memory_space<vmem>>
    %dma_start3A_500 = arith.constant 384 : i32
    %dma_start3A_501 = tpu.memref_slice %arg9[%dma_start3A_500] : memref<512xi32, #tpu.memory_space<vmem>> -> memref<128xi32, #tpu.memory_space<vmem>>
    %dma_start3A_502 = arith.constant 0 : i32
    %dma_start3A_503 = arith.constant 0 : i32
    %dma_start3A_504 = tpu.memref_slice %arg3[%dma_start3A_502, %dma_start3A_503] : memref<16384x128xf32, #tpu.memory_space<hbm>> -> memref<16384x128xf32, #tpu.memory_space<hbm>>
    tpu.enqueue_indirect_dma source(%dma_start3A_504 : memref<16384x128xf32, #tpu.memory_space<hbm>>) target(%dma_start3A_499 : memref<128x128xf32, #tpu.memory_space<vmem>>) offsets(%dma_start3A_501 : memref<128xi32, #tpu.memory_space<vmem>>) semaphore(%arg12 : memref<!tpu.dma_semaphore, #tpu.memory_space<semaphore_mem>>)
    %dma_wait3A_505 = arith.constant 1 : i32
    %dma_wait3A_506 = arith.constant 0 : i32
    %dma_wait3A_507 = arith.constant 0 : i32
    %dma_wait3A_508 = tpu.memref_slice %arg10[%dma_wait3A_505, %dma_wait3A_506, %dma_wait3A_507] : memref<3x128x128xf32, #tpu.memory_space<vmem>> -> memref<1x128x128xf32, #tpu.memory_space<vmem>>
    %dma_wait3A_509 = tpu.memref_squeeze %dma_wait3A_508 : memref<1x128x128xf32, #tpu.memory_space<vmem>> -> memref<128x128xf32, #tpu.memory_space<vmem>>
    %dma_wait3A_510 = arith.constant 128 : i32
    %dma_wait3A_511 = tpu.memref_slice %arg9[%dma_wait3A_510] : memref<512xi32, #tpu.memory_space<vmem>> -> memref<128xi32, #tpu.memory_space<vmem>>
    %dma_wait3A_512 = arith.constant 0 : i32
    %dma_wait3A_513 = arith.constant 0 : i32
    %dma_wait3A_514 = tpu.memref_slice %arg3[%dma_wait3A_512, %dma_wait3A_513] : memref<16384x128xf32, #tpu.memory_space<hbm>> -> memref<16384x128xf32, #tpu.memory_space<hbm>>
    tpu.wait_indirect_dma semaphore(%arg12 : memref<!tpu.dma_semaphore, #tpu.memory_space<semaphore_mem>>) src(%dma_wait3A_514 : memref<16384x128xf32, #tpu.memory_space<hbm>>) dst(%dma_wait3A_509 : memref<128x128xf32, #tpu.memory_space<vmem>>)
    %add3A_515 = arith.constant 128 : i32
    %add3A_516 = arith.addi %mul3A_54, %add3A_515 : i32
    %dma_start3A_517 = arith.constant 1 : i32
    %dma_start3A_518 = arith.constant 0 : i32
    %dma_start3A_519 = arith.constant 0 : i32
    %dma_start3A_520 = tpu.memref_slice %arg10[%dma_start3A_517, %dma_start3A_518, %dma_start3A_519] : memref<3x128x128xf32, #tpu.memory_space<vmem>> -> memref<1x128x128xf32, #tpu.memory_space<vmem>>
    %dma_start3A_521 = tpu.memref_squeeze %dma_start3A_520 : memref<1x128x128xf32, #tpu.memory_space<vmem>> -> memref<128x128xf32, #tpu.memory_space<vmem>>
    %dma_start3A_522 = arith.constant 0 : i32
    %dma_start3A_523 = tpu.memref_slice %arg4[%add3A_516, %dma_start3A_522] : memref<16384x128xf32, #tpu.memory_space<hbm>> -> memref<128x128xf32, #tpu.memory_space<hbm>>
    %dma_start3A_524 = arith.constant 0 : i32
    %dma_start3A_525 = tpu.memref_slice %arg4[%add3A_516, %dma_start3A_524] : memref<16384x128xf32, #tpu.memory_space<hbm>> -> memref<128x128xf32, #tpu.memory_space<hbm>>
    %dma_start3A_526 = arith.constant 0 : i32
    %dma_start3A_527 = arith.constant 0 : i32
    %dma_start3A_528 = tpu.memref_slice %arg10[%dma_start3A_517, %dma_start3A_526, %dma_start3A_527] : memref<3x128x128xf32, #tpu.memory_space<vmem>> -> memref<1x128x128xf32, #tpu.memory_space<vmem>>
    %dma_start3A_529 = tpu.memref_squeeze %dma_start3A_528 : memref<1x128x128xf32, #tpu.memory_space<vmem>> -> memref<128x128xf32, #tpu.memory_space<vmem>>
    tpu.enqueue_dma source(%dma_start3A_529 : memref<128x128xf32, #tpu.memory_space<vmem>>) target(%dma_start3A_525 : memref<128x128xf32, #tpu.memory_space<hbm>>) target_semaphore(%arg13 : memref<!tpu.dma_semaphore, #tpu.memory_space<semaphore_mem>>)
    %dma_wait3A_530 = arith.constant 2 : i32
    %dma_wait3A_531 = arith.constant 0 : i32
    %dma_wait3A_532 = arith.constant 0 : i32
    %dma_wait3A_533 = tpu.memref_slice %arg10[%dma_wait3A_530, %dma_wait3A_531, %dma_wait3A_532] : memref<3x128x128xf32, #tpu.memory_space<vmem>> -> memref<1x128x128xf32, #tpu.memory_space<vmem>>
    %dma_wait3A_534 = tpu.memref_squeeze %dma_wait3A_533 : memref<1x128x128xf32, #tpu.memory_space<vmem>> -> memref<128x128xf32, #tpu.memory_space<vmem>>
    %dma_wait3A_535 = arith.constant 256 : i32
    %dma_wait3A_536 = tpu.memref_slice %arg9[%dma_wait3A_535] : memref<512xi32, #tpu.memory_space<vmem>> -> memref<128xi32, #tpu.memory_space<vmem>>
    %dma_wait3A_537 = arith.constant 0 : i32
    %dma_wait3A_538 = arith.constant 0 : i32
    %dma_wait3A_539 = tpu.memref_slice %arg3[%dma_wait3A_537, %dma_wait3A_538] : memref<16384x128xf32, #tpu.memory_space<hbm>> -> memref<16384x128xf32, #tpu.memory_space<hbm>>
    tpu.wait_indirect_dma semaphore(%arg12 : memref<!tpu.dma_semaphore, #tpu.memory_space<semaphore_mem>>) src(%dma_wait3A_539 : memref<16384x128xf32, #tpu.memory_space<hbm>>) dst(%dma_wait3A_534 : memref<128x128xf32, #tpu.memory_space<vmem>>)
    %add3A_540 = arith.constant 256 : i32
    %add3A_541 = arith.addi %mul3A_54, %add3A_540 : i32
    %dma_start3A_542 = arith.constant 2 : i32
    %dma_start3A_543 = arith.constant 0 : i32
    %dma_start3A_544 = arith.constant 0 : i32
    %dma_start3A_545 = tpu.memref_slice %arg10[%dma_start3A_542, %dma_start3A_543, %dma_start3A_544] : memref<3x128x128xf32, #tpu.memory_space<vmem>> -> memref<1x128x128xf32, #tpu.memory_space<vmem>>
    %dma_start3A_546 = tpu.memref_squeeze %dma_start3A_545 : memref<1x128x128xf32, #tpu.memory_space<vmem>> -> memref<128x128xf32, #tpu.memory_space<vmem>>
    %dma_start3A_547 = arith.constant 0 : i32
    %dma_start3A_548 = tpu.memref_slice %arg4[%add3A_541, %dma_start3A_547] : memref<16384x128xf32, #tpu.memory_space<hbm>> -> memref<128x128xf32, #tpu.memory_space<hbm>>
    %dma_start3A_549 = arith.constant 0 : i32
    %dma_start3A_550 = tpu.memref_slice %arg4[%add3A_541, %dma_start3A_549] : memref<16384x128xf32, #tpu.memory_space<hbm>> -> memref<128x128xf32, #tpu.memory_space<hbm>>
    %dma_start3A_551 = arith.constant 0 : i32
    %dma_start3A_552 = arith.constant 0 : i32
    %dma_start3A_553 = tpu.memref_slice %arg10[%dma_start3A_542, %dma_start3A_551, %dma_start3A_552] : memref<3x128x128xf32, #tpu.memory_space<vmem>> -> memref<1x128x128xf32, #tpu.memory_space<vmem>>
    %dma_start3A_554 = tpu.memref_squeeze %dma_start3A_553 : memref<1x128x128xf32, #tpu.memory_space<vmem>> -> memref<128x128xf32, #tpu.memory_space<vmem>>
    tpu.enqueue_dma source(%dma_start3A_554 : memref<128x128xf32, #tpu.memory_space<vmem>>) target(%dma_start3A_550 : memref<128x128xf32, #tpu.memory_space<hbm>>) target_semaphore(%arg13 : memref<!tpu.dma_semaphore, #tpu.memory_space<semaphore_mem>>)
    %dma_wait3A_555 = arith.constant 0 : i32
    %dma_wait3A_556 = arith.constant 0 : i32
    %dma_wait3A_557 = arith.constant 0 : i32
    %dma_wait3A_558 = tpu.memref_slice %arg10[%dma_wait3A_555, %dma_wait3A_556, %dma_wait3A_557] : memref<3x128x128xf32, #tpu.memory_space<vmem>> -> memref<1x128x128xf32, #tpu.memory_space<vmem>>
    %dma_wait3A_559 = tpu.memref_squeeze %dma_wait3A_558 : memref<1x128x128xf32, #tpu.memory_space<vmem>> -> memref<128x128xf32, #tpu.memory_space<vmem>>
    %dma_wait3A_560 = arith.constant 384 : i32
    %dma_wait3A_561 = tpu.memref_slice %arg9[%dma_wait3A_560] : memref<512xi32, #tpu.memory_space<vmem>> -> memref<128xi32, #tpu.memory_space<vmem>>
    %dma_wait3A_562 = arith.constant 0 : i32
    %dma_wait3A_563 = arith.constant 0 : i32
    %dma_wait3A_564 = tpu.memref_slice %arg3[%dma_wait3A_562, %dma_wait3A_563] : memref<16384x128xf32, #tpu.memory_space<hbm>> -> memref<16384x128xf32, #tpu.memory_space<hbm>>
    tpu.wait_indirect_dma semaphore(%arg12 : memref<!tpu.dma_semaphore, #tpu.memory_space<semaphore_mem>>) src(%dma_wait3A_564 : memref<16384x128xf32, #tpu.memory_space<hbm>>) dst(%dma_wait3A_559 : memref<128x128xf32, #tpu.memory_space<vmem>>)
    %add3A_565 = arith.constant 384 : i32
    %add3A_566 = arith.addi %mul3A_54, %add3A_565 : i32
    %dma_start3A_567 = arith.constant 0 : i32
    %dma_start3A_568 = arith.constant 0 : i32
    %dma_start3A_569 = arith.constant 0 : i32
    %dma_start3A_570 = tpu.memref_slice %arg10[%dma_start3A_567, %dma_start3A_568, %dma_start3A_569] : memref<3x128x128xf32, #tpu.memory_space<vmem>> -> memref<1x128x128xf32, #tpu.memory_space<vmem>>
    %dma_start3A_571 = tpu.memref_squeeze %dma_start3A_570 : memref<1x128x128xf32, #tpu.memory_space<vmem>> -> memref<128x128xf32, #tpu.memory_space<vmem>>
    %dma_start3A_572 = arith.constant 0 : i32
    %dma_start3A_573 = tpu.memref_slice %arg4[%add3A_566, %dma_start3A_572] : memref<16384x128xf32, #tpu.memory_space<hbm>> -> memref<128x128xf32, #tpu.memory_space<hbm>>
    %dma_start3A_574 = arith.constant 0 : i32
    %dma_start3A_575 = tpu.memref_slice %arg4[%add3A_566, %dma_start3A_574] : memref<16384x128xf32, #tpu.memory_space<hbm>> -> memref<128x128xf32, #tpu.memory_space<hbm>>
    %dma_start3A_576 = arith.constant 0 : i32
    %dma_start3A_577 = arith.constant 0 : i32
    %dma_start3A_578 = tpu.memref_slice %arg10[%dma_start3A_567, %dma_start3A_576, %dma_start3A_577] : memref<3x128x128xf32, #tpu.memory_space<vmem>> -> memref<1x128x128xf32, #tpu.memory_space<vmem>>
    %dma_start3A_579 = tpu.memref_squeeze %dma_start3A_578 : memref<1x128x128xf32, #tpu.memory_space<vmem>> -> memref<128x128xf32, #tpu.memory_space<vmem>>
    tpu.enqueue_dma source(%dma_start3A_579 : memref<128x128xf32, #tpu.memory_space<vmem>>) target(%dma_start3A_575 : memref<128x128xf32, #tpu.memory_space<hbm>>) target_semaphore(%arg13 : memref<!tpu.dma_semaphore, #tpu.memory_space<semaphore_mem>>)
    %dma_wait3A_580 = arith.constant 1 : i32
    %dma_wait3A_581 = arith.constant 0 : i32
    %dma_wait3A_582 = arith.constant 0 : i32
    %dma_wait3A_583 = tpu.memref_slice %arg10[%dma_wait3A_580, %dma_wait3A_581, %dma_wait3A_582] : memref<3x128x128xf32, #tpu.memory_space<vmem>> -> memref<1x128x128xf32, #tpu.memory_space<vmem>>
    %dma_wait3A_584 = tpu.memref_squeeze %dma_wait3A_583 : memref<1x128x128xf32, #tpu.memory_space<vmem>> -> memref<128x128xf32, #tpu.memory_space<vmem>>
    %dma_wait3A_585 = arith.constant 0 : i32
    %dma_wait3A_586 = tpu.memref_slice %arg4[%add3A_516, %dma_wait3A_585] : memref<16384x128xf32, #tpu.memory_space<hbm>> -> memref<128x128xf32, #tpu.memory_space<hbm>>
    %dma_wait3A_587 = arith.constant 0 : i32
    %dma_wait3A_588 = tpu.memref_slice %arg4[%add3A_516, %dma_wait3A_587] : memref<16384x128xf32, #tpu.memory_space<hbm>> -> memref<128x128xf32, #tpu.memory_space<hbm>>
    %dma_wait3A_589 = arith.constant 0 : i32
    %dma_wait3A_590 = arith.constant 0 : i32
    %dma_wait3A_591 = tpu.memref_slice %arg10[%dma_wait3A_580, %dma_wait3A_589, %dma_wait3A_590] : memref<3x128x128xf32, #tpu.memory_space<vmem>> -> memref<1x128x128xf32, #tpu.memory_space<vmem>>
    %dma_wait3A_592 = tpu.memref_squeeze %dma_wait3A_591 : memref<1x128x128xf32, #tpu.memory_space<vmem>> -> memref<128x128xf32, #tpu.memory_space<vmem>>
    tpu.wait_dma2 semaphore(%arg13 : memref<!tpu.dma_semaphore, #tpu.memory_space<semaphore_mem>>) src(%dma_wait3A_592 : memref<128x128xf32, #tpu.memory_space<vmem>>) dst(%dma_wait3A_588 : memref<128x128xf32, #tpu.memory_space<hbm>>)
    %dma_wait3A_593 = arith.constant 2 : i32
    %dma_wait3A_594 = arith.constant 0 : i32
    %dma_wait3A_595 = arith.constant 0 : i32
    %dma_wait3A_596 = tpu.memref_slice %arg10[%dma_wait3A_593, %dma_wait3A_594, %dma_wait3A_595] : memref<3x128x128xf32, #tpu.memory_space<vmem>> -> memref<1x128x128xf32, #tpu.memory_space<vmem>>
    %dma_wait3A_597 = tpu.memref_squeeze %dma_wait3A_596 : memref<1x128x128xf32, #tpu.memory_space<vmem>> -> memref<128x128xf32, #tpu.memory_space<vmem>>
    %dma_wait3A_598 = arith.constant 0 : i32
    %dma_wait3A_599 = tpu.memref_slice %arg4[%add3A_541, %dma_wait3A_598] : memref<16384x128xf32, #tpu.memory_space<hbm>> -> memref<128x128xf32, #tpu.memory_space<hbm>>
    %dma_wait3A_600 = arith.constant 0 : i32
    %dma_wait3A_601 = tpu.memref_slice %arg4[%add3A_541, %dma_wait3A_600] : memref<16384x128xf32, #tpu.memory_space<hbm>> -> memref<128x128xf32, #tpu.memory_space<hbm>>
    %dma_wait3A_602 = arith.constant 0 : i32
    %dma_wait3A_603 = arith.constant 0 : i32
    %dma_wait3A_604 = tpu.memref_slice %arg10[%dma_wait3A_593, %dma_wait3A_602, %dma_wait3A_603] : memref<3x128x128xf32, #tpu.memory_space<vmem>> -> memref<1x128x128xf32, #tpu.memory_space<vmem>>
    %dma_wait3A_605 = tpu.memref_squeeze %dma_wait3A_604 : memref<1x128x128xf32, #tpu.memory_space<vmem>> -> memref<128x128xf32, #tpu.memory_space<vmem>>
    tpu.wait_dma2 semaphore(%arg13 : memref<!tpu.dma_semaphore, #tpu.memory_space<semaphore_mem>>) src(%dma_wait3A_605 : memref<128x128xf32, #tpu.memory_space<vmem>>) dst(%dma_wait3A_601 : memref<128x128xf32, #tpu.memory_space<hbm>>)
    %dma_wait3A_606 = arith.constant 0 : i32
    %dma_wait3A_607 = arith.constant 0 : i32
    %dma_wait3A_608 = arith.constant 0 : i32
    %dma_wait3A_609 = tpu.memref_slice %arg10[%dma_wait3A_606, %dma_wait3A_607, %dma_wait3A_608] : memref<3x128x128xf32, #tpu.memory_space<vmem>> -> memref<1x128x128xf32, #tpu.memory_space<vmem>>
    %dma_wait3A_610 = tpu.memref_squeeze %dma_wait3A_609 : memref<1x128x128xf32, #tpu.memory_space<vmem>> -> memref<128x128xf32, #tpu.memory_space<vmem>>
    %dma_wait3A_611 = arith.constant 0 : i32
    %dma_wait3A_612 = tpu.memref_slice %arg4[%add3A_566, %dma_wait3A_611] : memref<16384x128xf32, #tpu.memory_space<hbm>> -> memref<128x128xf32, #tpu.memory_space<hbm>>
    %dma_wait3A_613 = arith.constant 0 : i32
    %dma_wait3A_614 = tpu.memref_slice %arg4[%add3A_566, %dma_wait3A_613] : memref<16384x128xf32, #tpu.memory_space<hbm>> -> memref<128x128xf32, #tpu.memory_space<hbm>>
    %dma_wait3A_615 = arith.constant 0 : i32
    %dma_wait3A_616 = arith.constant 0 : i32
    %dma_wait3A_617 = tpu.memref_slice %arg10[%dma_wait3A_606, %dma_wait3A_615, %dma_wait3A_616] : memref<3x128x128xf32, #tpu.memory_space<vmem>> -> memref<1x128x128xf32, #tpu.memory_space<vmem>>
    %dma_wait3A_618 = tpu.memref_squeeze %dma_wait3A_617 : memref<1x128x128xf32, #tpu.memory_space<vmem>> -> memref<128x128xf32, #tpu.memory_space<vmem>>
    tpu.wait_dma2 semaphore(%arg13 : memref<!tpu.dma_semaphore, #tpu.memory_space<semaphore_mem>>) src(%dma_wait3A_618 : memref<128x128xf32, #tpu.memory_space<vmem>>) dst(%dma_wait3A_614 : memref<128x128xf32, #tpu.memory_space<hbm>>)
    return
  }
}

</mosaic_0001>

<sc_bundles>
// kernel: kernel.3.cloned.1.call-start
scs
__scs_entry_jumppad:
0x0: {  	(pc) =	sbr.rel $0x88, $3  }
0x1: {  	(tag) =	ssettag $0x0;
	lr =	simm.s32 $0x1  }
0x2: {  	[smem:$0x3F9F] =	sst lr;
	_ =	strace $0xD0000000  }
0x3: {  	_ = 	snop  }
0x4: {  	_ = 	snop  }
0x5: {  	_ = 	snop  }
0x6: {  	_ = 	snop  }
0x7: {  	_ = 	snop  }
__scs_overlays_trampoline_lowered:
0x8: {  	[smem:$0x3FAE] =	sst s0  }
0x9: {  	[smem:$0x3FAF] =	sst s1  }
0xa: {  	[smem:$0x3FB0] =	sst s2  }
0xb: {  	[smem:$0x3FB1] =	sst s3  }
0xc: {  	[smem:$0x3FB2] =	sst s4  }
0xd: {  	[smem:$0x3FB3] =	sst s5  }
0xe: {  	[smem:$0x3FB4] =	sst s6  }
0xf: {  	[smem:$0x3FB5] =	sst s7  }
0x10: {  	[smem:$0x3FB6] =	sst s8  }
0x11: {  	[smem:$0x3FB7] =	sst s9;
	s0 =	simm.s32 @!p0 $0x0  }
0x12: {  	s1 =	sld [smem:$0x3F9D];
	s0 =	simm.s32 @p0 $0x1  }
0x13: {  	[smem:$0x3FB8] =	sst s0;
	s0 =	simm.s32 @!p1 $0x0  }
0x14: {  	s2 =	sld [smem:$0x3F9C];
	s0 =	simm.s32 @p1 $0x1  }
0x15: {  	[smem:$0x3FB9] =	sst s0;
	s0 =	simm.s32 @!p2 $0x0  }
0x16: {  	s3 =	sld [smem:$0x3FDB];
	s0 =	simm.s32 @p2 $0x1  }
0x17: {  	s4 =	simm.s32 $0x1BF5;
	[smem:$0x3FBB] =	sst s0  }
0x18: {  	s0 =	sld [smem:$0x3F9E];
	_ =	swait.ge [sflag:s4], $0x0  }
0x19: {  	s7 =	sld [smem:$0x3F9F]  }
0x1a: {  	s8 =	sadd.s32 $0xFFFFE003, lr  }
0x1b: {  	s9 =	sadd.s32 $0xFFFFFEF7, lr;
	s5 =	simm.s32 $0xFFFFFFFF;
	p2 =	slt.u32 s8, $0xFFFFF086  }
0x1c: {  	p1 =	slt.u32 s9, $0xF7A;
	s5 =	simm.s32 @!p2 $0x0  }
0x1d: {  	s5 =	simm.s32 @p1 $0x1;
	p0 =	seq.s32 s7, s2  }
0x1e: {  	s7 =	smul.u32 @!p0 $0xF7A, s2;
	p2 =	seq.s32 @!p0 s5, $0x0  }
0x1f: {  	s9 =	smul.u32 $0xF7A, s1;
	s8 =	simm.s32 @!p0 $0x1BF5;
	p2 =	por !p2, p0  }
0x20: {  	[sflag:s8] =	ssyncset.s32 @!p0 $0xFFFFF086;
	s6 =	sadd.s32 @!p0 s3, s7;
	s7 =	simm.s32 @!p0 $0x108  }
0x21: {  	s3 =	sadd.s32 s3, s9;
	s6 =	sadd.s32 @!p0 $0x88, s6;
	s7 =	simm.s32 @p2 $0x1082  }
0x22: {  	[simem:s7], [sflag:s8] =	dma.local @!p0 [hbm:s6], $0xF7A  }
0x23: {  	s9 =	sor.u32 $0xD0000000, s2;
	s6 =	simm.s32 $0x108;
	_ =	swait.ge @!p0 [sflag:s8], $0x0  }
0x24: {  	s3 =	sadd.s32 $0x88, s3;
	s6 =	simm.s32 @!p1 $0x1082;
	[sflag:s4] =	ssyncset.s32 $0xFFFFF086  }
0x25: {  	[simem:s6], [sflag:s4] =	dma.local [hbm:s3], $0xF7A  }
0x26: {  	[smem:$0x3F9F] =	sst s1;
	(tag) =	ssettag s2;
	_ =	strace s9  }
0x27: {  	s1 =	sld [smem:$0x3FAF]  }
0x28: {  	s2 =	sld [smem:$0x3FB0]  }
0x29: {  	s4 =	sld [smem:$0x3FB2]  }
0x2a: {  	p0 =	seq.s32 s5, $0x0;
	s5 =	sld [smem:$0x3FB3]  }
0x2b: {  	s6 =	sld [smem:$0x3FB4]  }
0x2c: {  	s7 =	sld [smem:$0x3FB5]  }
0x2d: {  	s3 =	simm.s32 $0x108;
	s8 =	sld [smem:$0x3FB6]  }
0x2e: {  	s3 =	simm.s32 @!p0 $0x1082;
	s9 =	sld [smem:$0x3FB7]  }
0x2f: {  	lr =	sadd.s32 s0, s3;
	s0 =	sld [smem:$0x3FAE]  }
0x30: {  	s3 =	sld [smem:$0x3FB1]  }
0x31: {  	[smem:$0x3FBA] =	sst s10  }
0x32: {  	s10 =	sld [smem:$0x3FB8];
	_ =	sdelay $0x3  }
0x33: {  	p0 =	seq.s32 s10, $0x1;
	s10 =	sld [smem:$0x3FBA];
	_ =	sdelay $0x3  }
0x34: {  	[smem:$0x3FBA] =	sst s10  }
0x35: {  	s10 =	sld [smem:$0x3FB9];
	_ =	sdelay $0x3  }
0x36: {  	p1 =	seq.s32 s10, $0x1;
	s10 =	sld [smem:$0x3FBA];
	_ =	sdelay $0x3  }
0x37: {  	[smem:$0x3FBA] =	sst s10  }
0x38: {  	s10 =	sld [smem:$0x3FBB]  }
0x39: {  	_ = 	snop;
	(pc) =	sbr.ind lr, $3  }
0x3a: {  	_ = 	snop  }
0x3b: {  	_ = 	snop  }
0x3c: {  	p2 =	seq.s32 s10, $0x1;
	s10 =	sld [smem:$0x3FBA]  }
0x3d: {  	_ =	shalt  }
0x3e: {  	_ =	shalt  }
0x3f: {  	_ =	shalt  }
0x40: {  	_ =	shalt  }
0x41: {  	_ =	shalt  }
0x42: {  	_ =	shalt  }
0x43: {  	_ =	shalt  }
0x44: {  	_ =	shalt  }
0x45: {  	_ =	shalt  }
0x46: {  	_ =	shalt  }
0x47: {  	_ =	shalt  }
0x48: {  	_ =	shalt  }
0x49: {  	_ =	shalt  }
0x4a: {  	_ =	shalt  }
0x4b: {  	_ =	shalt  }
0x4c: {  	_ =	shalt  }
0x4d: {  	_ =	shalt  }
0x4e: {  	_ =	shalt  }
0x4f: {  	_ =	shalt  }
0x50: {  	_ =	shalt  }
0x51: {  	_ =	shalt  }
0x52: {  	_ =	shalt  }
0x53: {  	_ =	shalt  }
0x54: {  	_ =	shalt  }
0x55: {  	_ =	shalt  }
0x56: {  	_ =	shalt  }
0x57: {  	_ =	shalt  }
0x58: {  	_ =	shalt  }
0x59: {  	_ =	shalt  }
0x5a: {  	_ =	shalt  }
0x5b: {  	_ =	shalt  }
0x5c: {  	_ =	shalt  }
0x5d: {  	_ =	shalt  }
0x5e: {  	_ =	shalt  }
0x5f: {  	_ =	shalt  }
0x60: {  	_ =	shalt  }
0x61: {  	_ =	shalt  }
0x62: {  	_ =	shalt  }
0x63: {  	_ =	shalt  }
0x64: {  	_ =	shalt  }
0x65: {  	_ =	shalt  }
0x66: {  	_ =	shalt  }
0x67: {  	_ =	shalt  }
0x68: {  	_ =	shalt  }
0x69: {  	_ =	shalt  }
0x6a: {  	_ =	shalt  }
0x6b: {  	_ =	shalt  }
0x6c: {  	_ =	shalt  }
0x6d: {  	_ =	shalt  }
0x6e: {  	_ =	shalt  }
0x6f: {  	_ =	shalt  }
0x70: {  	_ =	shalt  }
0x71: {  	_ =	shalt  }
0x72: {  	_ =	shalt  }
0x73: {  	_ =	shalt  }
0x74: {  	_ =	shalt  }
0x75: {  	_ =	shalt  }
0x76: {  	_ =	shalt  }
0x77: {  	_ =	shalt  }
0x78: {  	_ =	shalt  }
0x79: {  	_ =	shalt  }
0x7a: {  	_ =	shalt  }
0x7b: {  	_ =	shalt  }
0x7c: {  	_ =	shalt  }
0x7d: {  	_ =	shalt  }
0x7e: {  	_ =	shalt  }
0x7f: {  	_ =	shalt  }
0x80: {  	_ =	shalt  }
0x81: {  	_ =	shalt  }
0x82: {  	_ =	shalt  }
0x83: {  	_ =	shalt  }
0x84: {  	_ =	shalt  }
0x85: {  	_ =	shalt  }
0x86: {  	_ =	shalt  }
0x87: {  	_ =	shalt  }
.Lfunc_end0:
.L_simem_size_0:
called_computation_lowered:
.L_overlay_start_0:
0x88: {  	s2 =	sld [smem:$0x3FD9]  }
0x89: {  	s3 =	sld [smem:$0x3FFE];
	_ =	sdelay $0x1  }
0x8a: {  	s1 =	srdreg.scid  }
0x8b: {  	s0 =	sand.u32 $0x1, s1  }
0x8c: {  	s17 =	sshll.u32 s0, $0xA;
	s2 =	sadd.s32 s3, s2  }
0x8d: {  	s2 =	sadd.s32 s2, s17  }
0x8e: {  	[smem:$0x3FC6] =	sst s2  }
0x8f: {  	_ = 	snop  }
0x90: {  	s2 =	sld [smem:$0x3FC9]  }
0x91: {  	s18 =	sld [smem:$0x3FC8]  }
0x92: {  	s4 =	sld [smem:$0x3FD0];
	(tm) =	ssettm $0x1  }
0x93: {  	s5 =	sld [smem:$0x3FFB];
	_ =	sdelay $0x3  }
0x94: {  	_ =	strace s5  }
0x95: {  	s5 =	sld [smem:$0x3FFC];
	_ =	sdelay $0x3  }
0x96: {  	_ =	strace s5  }
0x97: {  	s5 =	sld [smem:$0x3FFD];
	_ =	sdelay $0x3  }
0x98: {  	_ =	strace s5  }
0x99: {  	_ =	strace $0x8FFFFFFF  }
0x9a: {  	s19 =	sld [smem:$0x3FDB];
	_ =	sdelay $0x1  }
0x9b: {  	s6 =	simm.s32 $_scs_section_size  }
0x9c: {  	s7 =	simm.s32 $_size__tile_overlayer_lowered;
	s8 =	simm.s32 $_tile_overlayer_lowered  }
0x9d: {  	s22 =	simm.s32 $0x1BFF;
	s21 =	sshll.u32 s8, $0x1;
	s5 =	sadd.s32 s6, s19  }
0x9e: {  	s9 =	simm.s32 $0x0;
	s20 =	sshll.u32 s7, $0x1;
	s7 =	sadd.s32 s21, s5  }
0x9f: {  	[timem:s9], [sflag:s22] =	dma.local [hbm:s7], s20  }
0xa0: {  	_ =	swait.ge [sflag:s22], s20  }
0xa1: {  	s6 =	ssub.s32 $0x0, s20;
	[sflag:s22] =	ssyncset.done $0x0  }
0xa2: {  	[sflag:s22] =	ssyncadd.s32 s6;
	_ =	sdelay $0x1  }
0xa3: {  	s23 =	simm.s32 $0x1B8B  }
0xa4: {  	_ =	swait.ge [sflag:s23], $0x1  }
0xa5: {  	[sflag:s23] =	ssyncset.done $0x0  }
0xa6: {  	s25 =	simm.s32 $0x1B8E;
	s24 =	sld [smem:$0x3FFE];
	[sflag:s23] =	ssyncadd.s32 $0xFFFFFFFF  }
0xa7: {  	s26 =	simm.s32 $execute0_lowered;
	[smem:$0x3FD2] =	sst s25  }
0xa8: {  	s7 =	sshll.u32 s26, $0x1;
	_ =	strace $0x80000046;
	[dreg:$0x1] =	wrdreg $0xFFFFFFFF  }
0xa9: {  	s28 =	simm.s32 $_size_execute0_lowered;
	s5 =	sadd.s32 s5, s7;
	[dreg:$0x0] =	wrdreg $0x0  }
0xaa: {  	s7 =	sshll.u32 s28, $0x1;
	[dreg:$0x2] =	wrdreg s5  }
0xab: {  	[dreg:$0x3] =	wrdreg s7  }
0xac: {  	[dreg:$0x4] =	wrdreg $0xC0  }
0xad: {  	_ =	task [dreg:s9], $0x5FFFF  }
0xae: {  	[dreg:$0x1] =	wrdreg $0xFFFFFFFF  }
0xaf: {  	[dreg:$0x0] =	wrdreg $0x60  }
0xb0: {  	[dreg:$0x2] =	wrdreg s2  }
0xb1: {  	[dreg:$0x3] =	wrdreg s18  }
0xb2: {  	[dreg:$0x4] =	wrdreg s4  }
0xb3: {  	[dreg:$0x5] =	wrdreg s24  }
0xb4: {  	[dreg:$0x6] =	wrdreg $0x9  }
0xb5: {  	_ =	task.clear_ibuf [dreg:s9], $0x7FFFF;
	_ =	strace $0x90000046  }
0xb6: {  	s29 =	simm.s32 $0x9;
	_ =	strace $0x80000048  }
0xb7: {  	_ =	swait.ge [sflag:s29], $0x1  }
0xb8: {  	[sflag:s29] =	ssyncadd.s32 $0xFFFFFFFF  }
0xb9: {  	_ =	strace $0x90000048  }
0xba: {  	_ =	sfence  }
0xbb: {  	s30 =	sld [smem:$0x0];
	_ =	sdelay $0x2  }
0xbc: {  	s31 =	sshll.u32 s1, $0xD;
	s1 =	sshrl.u32 s1, $0x2  }
0xbd: {  	s3 =	sand.u32 $0x4000, s31;
	s1 =	sadd.s32 s1, s30  }
0xbe: {  	s0 =	sor.u32 s3, s0;
	s1 =	sshll.u32 s1, $0x11  }
0xbf: {  	s0 =	sor.u32 s1, s0  }
0xc0: {  	s0 =	sadd.s32 $0x8F2B, s0  }
0xc1: {  	[sflag:s0] =	ssyncadd.remote.s32 $0x1  }
0xc2: {  	_ =	sfence.sel $0xFFFF  }
0xc3: {  	[dreg:$0x0] =	wrdreg $0xFFFFFFFF;
	(pc) =	sbr.abs _section_cstart, $3  }
0xc4: {  	[dreg:$0x1] =	wrdreg $0xFFFFFFFF  }
0xc5: {  	_ =	task.clear_ibuf [dreg:s9], $0x2FFFF;
	_ =	strace $0x9FFFFFFF  }
0xc6: {  	(tm) =	ssettm $0x7FFFFFFF  }
0xc7: {  	_ =	shalt  }
tec
execute0_lowered:
.L_overlay_start_1:
0x0: {  	(tag) =	ssettag $0x1  }
0x1: {  	s9 =	rddreg [dreg:$0x0]  }
0x2: {  	s2 =	rddreg [dreg:$0x1]  }
0x3: {  	s0 =	rddreg [dreg:$0x2]  }
0x4: {  	s1 =	rddreg [dreg:$0x3]  }
0x5: {  	s3 =	srdreg.scid;
	s8 =	stileid.u32;
	s4 =	simm.s32 $0x0  }
0x6: {  	s18 =	simm.s32 $0x1;
	s19 =	simm.s32 $0x4000;
	s20 =	simm.s32 $0x3  }
0x7: {  	s28 =	simm.s32 $0x13780;
	s29 =	simm.s32 $0x13600;
	s30 =	simm.s32 $0x13800  }
0x8: {  	s31 =	simm.s32 $0x13880;
	s3 =	sand.u32 $0x1, s3;
	s17 =	smul.u32 $0xF428, s8  }
0x9: {  	[smem:$0x7FF] =	sst s4;
	s5 =	sadd.s32 $0x800, s1;
	s8 =	sshll.u32 s8, $0x9  }
0xa: {  	s1 =	simm.s32 $0x2;
	s6 =	ssub.s32 $0x2, s3;
	s22 =	smul.u32 $0xF4280, s3  }
0xb: {  	_ =	strace $0x80000047;
	s3 =	sshll.u32 s3, $0xD;
	s7 =	sshrl.u32 s6, $0x1  }
0xc: {  	s8 =	sor.u32 s8, s3;
	s21 =	ssub.s32 s6, s7;
	s23 =	sadd.s32 s17, s22  }
0xd: {  	s6 =	sadd.s32 $0x400, s9;
	s9 =	sor.u32 $0x80, s8;
	s10 =	sor.u32 $0x100, s8  }
0xe: {  	v0 =	vmov s17;
	s3 =	sshll.u32 s8, $0x4;
	s11 =	sor.u32 $0x180, s8;
	s17 =	simm.s32 $0x0  }
0xf: {  	s24 =	sshrl.u32 s23, $0x3;
	s12 =	sadd.s32 s0, s3;
	s25 =	sshll.u32 s9, $0x4  }
0x10: {  	s26 =	sshll.u32 s10, $0x4;
	s15 =	sshll.u32 s11, $0x4;
	s16 =	smax.u32 s21, $0x1  }
0x11: {  	s21 =	simm.s32 $0x80;
	s23 =	simm.s32 $0x13680;
	s3 =	simm.s32 $0x1B880  }
0x12: {  	s7 =	sadd.s32 s5, s24;
	s13 =	sadd.s32 s0, s25;
	s14 =	sadd.s32 s0, s26  }
0x13: {  	v2 =	vlaneseq.u32;
	v1 =	vmov s22;
	s15 =	sadd.s32 s0, s15;
	s25 =	simm.s32 $0x13700;
	s0 =	simm.s32 $0x17880  }
.LBB2_1:
0x14: {  	s22 =	rddreg [dreg:$0x0]  }
0x15: {  	[tilespmem:s4], [sflag:$0x1] =	stream.linear.gather [hbm4b:s22+s4], $0x2000, $0x38;
	[tilespmem:$0x1F880] =	vst v63  }
0x16: {  	s26 =	simm.s32 $0x2000  }
0x17: {  	[tilespmem:s26], [sflag:$0x1] =	stream.linear.gather [hbm4b:s6+s4], $0x2000, $0x38;
	[tilespmem:$0x1F880] =	vst v63  }
0x18: {  	_ =	swait.ge [sflag:s18], $0x2000  }
0x19: {  	[sflag:s18] =	ssyncset.done $0x0  }
0x1a: {  	s24 =	simm.s32 $0x40;
	s22 =	simm.s32 $0x70;
	[sflag:s18] =	ssyncadd.s32 $0xFFFFE000  }
.LBB2_2:
0x1b: {  	v3 =	vld [tilespmem:s24+$0xFFFFFFC0];
	_ =	sdelay $0x4  }
0x1c: {  	v3 =	vsub.s32 v3, v0  }
0x1d: {  	v3 =	vmin.u32 v3, $0xF428;
	_ =	sdelay $0x2  }
0x1e: {  	s26 =	sadd.s32 $0xFFFFFF90, s22  }
0x1f: {  	v4 =	vor.u32 s26, v2  }
0x20: {  	[tilespmem:v3+s19+$0x0] =	vst.idx.msk $0xffff, v4  }
0x21: {  	v3 =	vld [tilespmem:s24+$0xFFFFFFD0];
	_ =	sdelay $0x4  }
0x22: {  	v3 =	vsub.s32 v3, v0  }
0x23: {  	v3 =	vmin.u32 v3, $0xF428;
	_ =	sdelay $0x2  }
0x24: {  	s26 =	sadd.s32 $0xFFFFFFA0, s22  }
0x25: {  	v57 =	vor.u32 s26, v2  }
0x26: {  	[tilespmem:v3+s19+$0x0] =	vst.idx.msk $0xffff, v57  }
0x27: {  	v3 =	vld [tilespmem:s24+$0xFFFFFFE0];
	_ =	sdelay $0x4  }
0x28: {  	v3 =	vsub.s32 v3, v0  }
0x29: {  	v3 =	vmin.u32 v3, $0xF428;
	_ =	sdelay $0x2  }
0x2a: {  	s26 =	sadd.s32 $0xFFFFFFB0, s22  }
0x2b: {  	v58 =	vor.u32 s26, v2  }
0x2c: {  	[tilespmem:v3+s19+$0x0] =	vst.idx.msk $0xffff, v58  }
0x2d: {  	v3 =	vld [tilespmem:s24+$0xFFFFFFF0];
	_ =	sdelay $0x4  }
0x2e: {  	v3 =	vsub.s32 v3, v0  }
0x2f: {  	v3 =	vmin.u32 v3, $0xF428;
	_ =	sdelay $0x2  }
0x30: {  	s26 =	sadd.s32 $0xFFFFFFC0, s22  }
0x31: {  	v59 =	vor.u32 s26, v2  }
0x32: {  	[tilespmem:v3+s19+$0x0] =	vst.idx.msk $0xffff, v59  }
0x33: {  	v3 =	vld [tilespmem:s24+$0x0];
	_ =	sdelay $0x4  }
0x34: {  	v3 =	vsub.s32 v3, v0  }
0x35: {  	v3 =	vmin.u32 v3, $0xF428;
	_ =	sdelay $0x2  }
0x36: {  	s26 =	sadd.s32 $0xFFFFFFD0, s22  }
0x37: {  	v60 =	vor.u32 s26, v2  }
0x38: {  	[tilespmem:v3+s19+$0x0] =	vst.idx.msk $0xffff, v60  }
0x39: {  	v3 =	vld [tilespmem:s24+$0x10];
	_ =	sdelay $0x4  }
0x3a: {  	v3 =	vsub.s32 v3, v0  }
0x3b: {  	v3 =	vmin.u32 v3, $0xF428;
	_ =	sdelay $0x2  }
0x3c: {  	s26 =	sadd.s32 $0xFFFFFFE0, s22  }
0x3d: {  	v61 =	vor.u32 s26, v2  }
0x3e: {  	[tilespmem:v3+s19+$0x0] =	vst.idx.msk $0xffff, v61  }
0x3f: {  	v3 =	vld [tilespmem:s24+$0x20];
	_ =	sdelay $0x4  }
0x40: {  	v3 =	vsub.s32 v3, v0  }
0x41: {  	v3 =	vmin.u32 v3, $0xF428;
	_ =	sdelay $0x2  }
0x42: {  	s26 =	sadd.s32 $0xFFFFFFF0, s22  }
0x43: {  	v62 =	vor.u32 s26, v2  }
0x44: {  	[tilespmem:v3+s19+$0x0] =	vst.idx.msk $0xffff, v62  }
0x45: {  	v3 =	vld [tilespmem:s24+$0x30];
	_ =	sdelay $0x4  }
0x46: {  	v3 =	vsub.s32 v3, v0  }
0x47: {  	p0 =	sne.s32 s22, $0x1FF0;
	v3 =	vmin.u32 v3, $0xF428  }
.Ltmp0:
0x48: {  	_ = 	snop;
	(pc) =	sbr.rel @p0 .LBB2_2-.Ltmp0, $3  }
0x49: {  	_ =	sdelay $0x1  }
0x4a: {  	v63 =	vor.u32 s22, v2  }
0x4b: {  	s22 =	sadd.s32 $0x80, s22;
	s24 =	sadd.s32 $0x80, s24;
	[tilespmem:v3+s19+$0x0] =	vst.idx.msk $0xffff, v63  }
0x4c: {  	_ =	swait.ge [sflag:s18], $0x2000  }
0x4d: {  	[sflag:s18] =	ssyncset.done $0x0  }
0x4e: {  	s22 =	simm.s32 $0x2070;
	s24 =	simm.s32 $0x2070;
	[sflag:s18] =	ssyncadd.s32 $0xFFFFE000  }
.LBB2_4:
0x4f: {  	v3 =	vld [tilespmem:s22+$0xFFFFFF90];
	_ =	sdelay $0x4  }
0x50: {  	v3 =	vsub.s32 v3, v0  }
0x51: {  	v3 =	vmin.u32 v3, $0xF428;
	_ =	sdelay $0x2  }
0x52: {  	s26 =	sadd.s32 $0xFFFFFF90, s24  }
0x53: {  	v4 =	vor.u32 s26, v2  }
0x54: {  	[tilespmem:v3+s19+$0x0] =	vst.idx.msk $0xffff, v4  }
0x55: {  	v3 =	vld [tilespmem:s22+$0xFFFFFFA0];
	_ =	sdelay $0x4  }
0x56: {  	v3 =	vsub.s32 v3, v0  }
0x57: {  	v3 =	vmin.u32 v3, $0xF428;
	_ =	sdelay $0x2  }
0x58: {  	s26 =	sadd.s32 $0xFFFFFFA0, s24  }
0x59: {  	v57 =	vor.u32 s26, v2  }
0x5a: {  	[tilespmem:v3+s19+$0x0] =	vst.idx.msk $0xffff, v57  }
0x5b: {  	v3 =	vld [tilespmem:s22+$0xFFFFFFB0];
	_ =	sdelay $0x4  }
0x5c: {  	v3 =	vsub.s32 v3, v0  }
0x5d: {  	v3 =	vmin.u32 v3, $0xF428;
	_ =	sdelay $0x2  }
0x5e: {  	s26 =	sadd.s32 $0xFFFFFFB0, s24  }
0x5f: {  	v58 =	vor.u32 s26, v2  }
0x60: {  	[tilespmem:v3+s19+$0x0] =	vst.idx.msk $0xffff, v58  }
0x61: {  	v3 =	vld [tilespmem:s22+$0xFFFFFFC0];
	_ =	sdelay $0x4  }
0x62: {  	v3 =	vsub.s32 v3, v0  }
0x63: {  	v3 =	vmin.u32 v3, $0xF428;
	_ =	sdelay $0x2  }
0x64: {  	s26 =	sadd.s32 $0xFFFFFFC0, s24  }
0x65: {  	v59 =	vor.u32 s26, v2  }
0x66: {  	[tilespmem:v3+s19+$0x0] =	vst.idx.msk $0xffff, v59  }
0x67: {  	v3 =	vld [tilespmem:s22+$0xFFFFFFD0];
	_ =	sdelay $0x4  }
0x68: {  	v3 =	vsub.s32 v3, v0  }
0x69: {  	v3 =	vmin.u32 v3, $0xF428;
	_ =	sdelay $0x2  }
0x6a: {  	s26 =	sadd.s32 $0xFFFFFFD0, s24  }
0x6b: {  	v60 =	vor.u32 s26, v2  }
0x6c: {  	[tilespmem:v3+s19+$0x0] =	vst.idx.msk $0xffff, v60  }
0x6d: {  	v3 =	vld [tilespmem:s22+$0xFFFFFFE0];
	_ =	sdelay $0x4  }
0x6e: {  	v3 =	vsub.s32 v3, v0  }
0x6f: {  	v3 =	vmin.u32 v3, $0xF428;
	_ =	sdelay $0x2  }
0x70: {  	s26 =	sadd.s32 $0xFFFFFFE0, s24  }
0x71: {  	v61 =	vor.u32 s26, v2  }
0x72: {  	[tilespmem:v3+s19+$0x0] =	vst.idx.msk $0xffff, v61  }
0x73: {  	v3 =	vld [tilespmem:s22+$0xFFFFFFF0];
	_ =	sdelay $0x4  }
0x74: {  	v3 =	vsub.s32 v3, v0  }
0x75: {  	v3 =	vmin.u32 v3, $0xF428;
	_ =	sdelay $0x2  }
0x76: {  	s26 =	sadd.s32 $0xFFFFFFF0, s24  }
0x77: {  	v62 =	vor.u32 s26, v2  }
0x78: {  	[tilespmem:v3+s19+$0x0] =	vst.idx.msk $0xffff, v62  }
0x79: {  	v3 =	vld [tilespmem:s22+$0x0];
	_ =	sdelay $0x4  }
0x7a: {  	v3 =	vsub.s32 v3, v0  }
0x7b: {  	p0 =	sne.s32 s24, $0x3FF0;
	v3 =	vmin.u32 v3, $0xF428  }
.Ltmp1:
0x7c: {  	_ = 	snop;
	(pc) =	sbr.rel @p0 .LBB2_4-.Ltmp1, $3  }
0x7d: {  	_ =	sdelay $0x1  }
0x7e: {  	v63 =	vor.u32 s24, v2  }
0x7f: {  	s24 =	sadd.s32 $0x80, s24;
	s22 =	sadd.s32 $0x80, s22;
	[tilespmem:v3+s19+$0x0] =	vst.idx.msk $0xffff, v63  }
0x80: {  	[hbm4b:s7+s4] =	stream.linear.scatter [tilespmem:s19], [sflag:$0x3], $0xF428, $0x38;
	[tilespmem:$0x1F880] =	vst v63  }
0x81: {  	v3 =	vld [tilespmem:s8+$0x0];
	_ =	sdelay $0x4  }
0x82: {  	v3 =	vadd.s32 v1, v3  }
0x83: {  	[tilespmem:$0x13480] =	vst v3  }
0x84: {  	v3 =	vld [tilespmem:s8+$0x10];
	_ =	sdelay $0x4  }
0x85: {  	v3 =	vadd.s32 v1, v3  }
0x86: {  	[tilespmem:$0x13490] =	vst v3  }
0x87: {  	v3 =	vld [tilespmem:s8+$0x20];
	_ =	sdelay $0x4  }
0x88: {  	v3 =	vadd.s32 v1, v3  }
0x89: {  	[tilespmem:$0x134A0] =	vst v3  }
0x8a: {  	v3 =	vld [tilespmem:s8+$0x30];
	_ =	sdelay $0x4  }
0x8b: {  	v3 =	vadd.s32 v1, v3  }
0x8c: {  	[tilespmem:$0x134B0] =	vst v3  }
0x8d: {  	v3 =	vld [tilespmem:s8+$0x40];
	_ =	sdelay $0x4  }
0x8e: {  	v3 =	vadd.s32 v1, v3  }
0x8f: {  	[tilespmem:$0x134C0] =	vst v3  }
0x90: {  	v3 =	vld [tilespmem:s8+$0x50];
	_ =	sdelay $0x4  }
0x91: {  	v3 =	vadd.s32 v1, v3  }
0x92: {  	[tilespmem:$0x134D0] =	vst v3  }
0x93: {  	v3 =	vld [tilespmem:s8+$0x60];
	_ =	sdelay $0x4  }
0x94: {  	v3 =	vadd.s32 v1, v3  }
0x95: {  	[tilespmem:$0x134E0] =	vst v3  }
0x96: {  	v3 =	vld [tilespmem:s8+$0x70];
	_ =	sdelay $0x4  }
0x97: {  	v3 =	vadd.s32 v1, v3  }
0x98: {  	[tilespmem:$0x134F0] =	vst v3  }
0x99: {  	v3 =	vld [tilespmem:s9+$0x0];
	_ =	sdelay $0x4  }
0x9a: {  	v3 =	vadd.s32 v1, v3  }
0x9b: {  	[tilespmem:$0x13500] =	vst v3  }
0x9c: {  	v3 =	vld [tilespmem:s8+$0x90];
	_ =	sdelay $0x4  }
0x9d: {  	v3 =	vadd.s32 v1, v3  }
0x9e: {  	[tilespmem:$0x13510] =	vst v3  }
0x9f: {  	v3 =	vld [tilespmem:s8+$0xA0];
	_ =	sdelay $0x4  }
0xa0: {  	v3 =	vadd.s32 v1, v3  }
0xa1: {  	[tilespmem:$0x13520] =	vst v3  }
0xa2: {  	v3 =	vld [tilespmem:s8+$0xB0];
	_ =	sdelay $0x4  }
0xa3: {  	v3 =	vadd.s32 v1, v3  }
0xa4: {  	[tilespmem:$0x13530] =	vst v3  }
0xa5: {  	v3 =	vld [tilespmem:s8+$0xC0];
	_ =	sdelay $0x4  }
0xa6: {  	v3 =	vadd.s32 v1, v3  }
0xa7: {  	[tilespmem:$0x13540] =	vst v3  }
0xa8: {  	v3 =	vld [tilespmem:s8+$0xD0];
	_ =	sdelay $0x4  }
0xa9: {  	v3 =	vadd.s32 v1, v3  }
0xaa: {  	[tilespmem:$0x13550] =	vst v3  }
0xab: {  	v3 =	vld [tilespmem:s8+$0xE0];
	_ =	sdelay $0x4  }
0xac: {  	v3 =	vadd.s32 v1, v3  }
0xad: {  	[tilespmem:$0x13560] =	vst v3  }
0xae: {  	v3 =	vld [tilespmem:s8+$0xF0];
	_ =	sdelay $0x4  }
0xaf: {  	v3 =	vadd.s32 v1, v3  }
0xb0: {  	[tilespmem:$0x13570] =	vst v3  }
0xb1: {  	v3 =	vld [tilespmem:s10+$0x0];
	_ =	sdelay $0x4  }
0xb2: {  	v3 =	vadd.s32 v1, v3  }
0xb3: {  	[tilespmem:$0x13580] =	vst v3  }
0xb4: {  	v3 =	vld [tilespmem:s8+$0x110];
	_ =	sdelay $0x4  }
0xb5: {  	v3 =	vadd.s32 v1, v3  }
0xb6: {  	[tilespmem:$0x13590] =	vst v3  }
0xb7: {  	v3 =	vld [tilespmem:s8+$0x120];
	_ =	sdelay $0x4  }
0xb8: {  	v3 =	vadd.s32 v1, v3  }
0xb9: {  	[tilespmem:$0x135A0] =	vst v3  }
0xba: {  	v3 =	vld [tilespmem:s8+$0x130];
	_ =	sdelay $0x4  }
0xbb: {  	v3 =	vadd.s32 v1, v3  }
0xbc: {  	[tilespmem:$0x135B0] =	vst v3  }
0xbd: {  	v3 =	vld [tilespmem:s8+$0x140];
	_ =	sdelay $0x4  }
0xbe: {  	v3 =	vadd.s32 v1, v3  }
0xbf: {  	[tilespmem:$0x135C0] =	vst v3  }
0xc0: {  	v3 =	vld [tilespmem:s8+$0x150];
	_ =	sdelay $0x4  }
0xc1: {  	v3 =	vadd.s32 v1, v3  }
0xc2: {  	[tilespmem:$0x135D0] =	vst v3  }
0xc3: {  	v3 =	vld [tilespmem:s8+$0x160];
	_ =	sdelay $0x4  }
0xc4: {  	v3 =	vadd.s32 v1, v3  }
0xc5: {  	[tilespmem:$0x135E0] =	vst v3  }
0xc6: {  	v3 =	vld [tilespmem:s8+$0x170];
	_ =	sdelay $0x4  }
0xc7: {  	v3 =	vadd.s32 v1, v3  }
0xc8: {  	[tilespmem:$0x135F0] =	vst v3  }
0xc9: {  	v3 =	vld [tilespmem:s11+$0x0];
	_ =	sdelay $0x4  }
0xca: {  	v3 =	vadd.s32 v1, v3  }
0xcb: {  	[tilespmem:$0x13600] =	vst v3  }
0xcc: {  	v3 =	vld [tilespmem:s8+$0x190];
	_ =	sdelay $0x4  }
0xcd: {  	v3 =	vadd.s32 v1, v3  }
0xce: {  	[tilespmem:$0x13610] =	vst v3  }
0xcf: {  	v3 =	vld [tilespmem:s8+$0x1A0];
	_ =	sdelay $0x4  }
0xd0: {  	v3 =	vadd.s32 v1, v3  }
0xd1: {  	[tilespmem:$0x13620] =	vst v3  }
0xd2: {  	v3 =	vld [tilespmem:s8+$0x1B0];
	_ =	sdelay $0x4  }
0xd3: {  	v3 =	vadd.s32 v1, v3  }
0xd4: {  	[tilespmem:$0x13630] =	vst v3  }
0xd5: {  	v3 =	vld [tilespmem:s8+$0x1C0];
	_ =	sdelay $0x4  }
0xd6: {  	v3 =	vadd.s32 v1, v3  }
0xd7: {  	[tilespmem:$0x13640] =	vst v3  }
0xd8: {  	v3 =	vld [tilespmem:s8+$0x1D0];
	_ =	sdelay $0x4  }
0xd9: {  	v3 =	vadd.s32 v1, v3  }
0xda: {  	[tilespmem:$0x13650] =	vst v3  }
0xdb: {  	v3 =	vld [tilespmem:s8+$0x1E0];
	_ =	sdelay $0x4  }
0xdc: {  	v3 =	vadd.s32 v1, v3  }
0xdd: {  	[tilespmem:$0x13660] =	vst v3  }
0xde: {  	v3 =	vld [tilespmem:s8+$0x1F0];
	_ =	sdelay $0x4  }
0xdf: {  	v3 =	vadd.s32 v1, v3  }
0xe0: {  	[tilespmem:$0x13670] =	vst v3  }
0xe1: {  	_ =	swait.ge [sflag:s20], $0xF428  }
0xe2: {  	[sflag:s20] =	ssyncset.done $0x0  }
0xe3: {  	[sflag:s20] =	ssyncadd.s32 $0xFFFF0BD8  }
0xe4: {  	s22 =	simm.s32 $0x13480;
	[bflag:$0x0] =	sbarrier.arrive $0xFFFF  }
0xe5: {  	[tilespmem:s23], [sflag:$0x1] =	stream.indirect.gather [hbm4b:s5+s21], $0x1, s22, s21, $0xb8;
	[tilespmem:$0x1F880] =	vst v63  }
0xe6: {  	s24 =	simm.s32 $0x13500  }
0xe7: {  	[tilespmem:s25], [sflag:$0x1] =	stream.indirect.gather [hbm4b:s5+s21], $0x1, s24, s21, $0xb8;
	[tilespmem:$0x1F880] =	vst v63  }
0xe8: {  	s26 =	simm.s32 $0x13580  }
0xe9: {  	[tilespmem:s28], [sflag:$0x1] =	stream.indirect.gather [hbm4b:s5+s21], $0x1, s26, s21, $0xb8;
	[tilespmem:$0x1F880] =	vst v63  }
0xea: {  	_ = 	snop  }
0xeb: {  	[tilespmem:s30], [sflag:$0x1] =	stream.indirect.gather [hbm4b:s5+s21], $0x1, s29, s21, $0xb8;
	[tilespmem:$0x1F880] =	vst v63  }
0xec: {  	_ =	swait.ge [sflag:s18], $0x80  }
0xed: {  	[sflag:s18] =	ssyncset.done $0x0  }
0xee: {  	[sflag:s18] =	ssyncadd.s32 $0xFFFFFF80  }
0xef: {  	_ =	swait.ge [sflag:s18], $0x80  }
0xf0: {  	[sflag:s18] =	ssyncset.done $0x0  }
0xf1: {  	[sflag:s18] =	ssyncadd.s32 $0xFFFFFF80  }
0xf2: {  	_ =	swait.ge [sflag:s18], $0x80  }
0xf3: {  	[sflag:s18] =	ssyncset.done $0x0  }
0xf4: {  	[sflag:s18] =	ssyncadd.s32 $0xFFFFFF80  }
0xf5: {  	_ =	swait.ge [sflag:s18], $0x80  }
0xf6: {  	[sflag:s18] =	ssyncset.done $0x0  }
0xf7: {  	[sflag:s18] =	ssyncadd.s32 $0xFFFFFF80  }
0xf8: {  	[tilespmem:s31], [sflag:$0x2] =	stream.indirect.gather [hbm4b:s2+s21], $0x80, s23, s21, $0xb8;
	[tilespmem:$0x1F880] =	vst v63  }
0xf9: {  	_ = 	snop  }
0xfa: {  	[tilespmem:s0], [sflag:$0x2] =	stream.indirect.gather [hbm4b:s2+s21], $0x80, s25, s21, $0xb8;
	[tilespmem:$0x1F880] =	vst v63  }
0xfb: {  	_ = 	snop  }
0xfc: {  	[tilespmem:s3], [sflag:$0x2] =	stream.indirect.gather [hbm4b:s2+s21], $0x80, s28, s21, $0xb8;
	[tilespmem:$0x1F880] =	vst v63  }
0xfd: {  	_ =	swait.ge [sflag:s1], $0x4000  }
0xfe: {  	[sflag:s1] =	ssyncset.done $0x0  }
0xff: {  	[sflag:s1] =	ssyncadd.s32 $0xFFFFC000  }
0x100: {  	[hbm4b:s12+s4] =	stream.linear.scatter [tilespmem:s31], [sflag:$0x3], $0x4000, $0x38;
	[tilespmem:$0x1F880] =	vst v63  }
0x101: {  	_ =	swait.ge [sflag:s20], $0x4000  }
0x102: {  	[sflag:s20] =	ssyncset.done $0x0  }
0x103: {  	[sflag:s20] =	ssyncadd.s32 $0xFFFFC000  }
0x104: {  	[tilespmem:s31], [sflag:$0x2] =	stream.indirect.gather [hbm4b:s2+s21], $0x80, s30, s21, $0xb8;
	[tilespmem:$0x1F880] =	vst v63  }
0x105: {  	_ =	swait.ge [sflag:s1], $0x4000  }
0x106: {  	[sflag:s1] =	ssyncset.done $0x0  }
0x107: {  	[sflag:s1] =	ssyncadd.s32 $0xFFFFC000  }
0x108: {  	[hbm4b:s13+s4] =	stream.linear.scatter [tilespmem:s0], [sflag:$0x3], $0x4000, $0x38;
	[tilespmem:$0x1F880] =	vst v63  }
0x109: {  	_ =	swait.ge [sflag:s1], $0x4000  }
0x10a: {  	[sflag:s1] =	ssyncset.done $0x0  }
0x10b: {  	[sflag:s1] =	ssyncadd.s32 $0xFFFFC000  }
0x10c: {  	[hbm4b:s14+s4] =	stream.linear.scatter [tilespmem:s3], [sflag:$0x3], $0x4000, $0x38;
	[tilespmem:$0x1F880] =	vst v63  }
0x10d: {  	_ =	swait.ge [sflag:s1], $0x4000  }
0x10e: {  	[sflag:s1] =	ssyncset.done $0x0  }
0x10f: {  	[sflag:s1] =	ssyncadd.s32 $0xFFFFC000  }
0x110: {  	[hbm4b:s15+s4] =	stream.linear.scatter [tilespmem:s31], [sflag:$0x3], $0x4000, $0x38;
	[tilespmem:$0x1F880] =	vst v63  }
0x111: {  	_ =	swait.ge [sflag:s20], $0x4000  }
0x112: {  	[sflag:s20] =	ssyncset.done $0x0  }
0x113: {  	s17 =	sadd.s32 $0x1, s17;
	[sflag:s20] =	ssyncadd.s32 $0xFFFFC000  }
0x114: {  	p0 =	sne.s32 s17, s16;
	_ =	swait.ge [sflag:s20], $0x4000  }
.Ltmp2:
0x115: {  	[sflag:s20] =	ssyncset.done $0x0;
	(pc) =	sbr.rel @p0 .LBB2_1-.Ltmp2, $4  }
0x116: {  	[sflag:s20] =	ssyncadd.s32 $0xFFFFC000  }
0x117: {  	_ =	swait.ge [sflag:s20], $0x4000  }
0x118: {  	[sflag:s20] =	ssyncset.done $0x0  }
0x119: {  	[sflag:s20] =	ssyncadd.s32 $0xFFFFC000  }
0x11a: {  	_ =	sfence.sel $0x180000  }
0x11b: {  	[bflag:$0x0] =	sbarrier.arrive $0xFFFF  }
0x11c: {  	_ =	strace $0x90000047  }
0x11d: {  	s0 =	stileid.u32;
	[bflag:$0x2] =	sbarrier.arrive $0xFFFF  }
0x11e: {  	p0 =	sne.s32 s0, $0x0;
	s0 =	rddreg [dreg:$0x4]  }
0x11f: {  	s0 =	sadd.s32 @!p0 $0x100000, s0  }
0x120: {  	[sflag:s0] =	ssyncadd.tile.s32 @!p0 $0x1;
	_ =	shalt  }
.Lfunc_end2:
_tile_overlayer_lowered:
.L_overlay_start_2:
0x121: {  	(tag) =	ssettag $0x2  }
0x122: {  	s0 =	rddreg [dreg:$0x0];
	s2 =	stileid.u32  }
0x123: {  	s1 =	rddreg [dreg:$0x1];
	p0 =	sne.s32 s2, $0x0  }
0x124: {  	s3 =	rddreg [dreg:$0x2];
	[bflag:$0x3] =	sbarrier.arrive $0xFFFF;
	s2 =	simm.s32 @!p0 $0x1C04  }
0x125: {  	[timem:s3], [sflag:s2] =	dma.local @!p0 [hbm:s0], s1  }
0x126: {  	s0 =	simm.s32 @!p0 $0x4  }
0x127: {  	_ =	swait.ge @!p0 [sflag:s0], s1  }
0x128: {  	s1 =	ssub.s32 @!p0 $0x0, s1;
	[sflag:s0] =	ssyncset.done @!p0 $0x0  }
0x129: {  	[sflag:s0] =	ssyncadd.s32 @!p0 s1  }
0x12a: {  	[bflag:$0x3] =	sbarrier.arrive $0xFFFF  }
0x12b: {  	_ =	shalt  }

</sc_bundles>
